<compile_context>
chip_gen: v7x
topology: tpu7x:2x2x1
jax: 0.10.2.dev20260603
libtpu: 0.0.44.dev20260713+nightly
codegen_flags: <defaults>
</compile_context>

<pallas_src>
import functools

import jax
import jax.numpy as jnp
from jax import lax
from jax.experimental import pallas as pl
from jax.experimental.pallas import tpu as pltpu
from jax.experimental.pallas import tpu_sc as plsc

N = 16384
C = 1000
N_BINS = 15
BR = 2048
NBLK = N // BR
NSUB = 16
LANES = 16
SUBL = BR // 128
SCR = 128 // NSUB


def _tc_body(xt_ref, lab_ref, conf_ref, acc_ref):
    x = xt_ref[...]
    m = jnp.max(x, axis=0)
    row = lax.broadcasted_iota(jnp.int32, x.shape, 0)
    first = jnp.min(jnp.where(x == m[None, :], row, C), axis=0)
    acc = (first.reshape(SUBL, 128) == lab_ref[...]).astype(jnp.float32)
    conf_ref[...] = m.reshape(SUBL, 128)
    acc_ref[...] = acc


_tc_call = pl.pallas_call(
    _tc_body,
    grid=(NBLK,),
    in_specs=[
        pl.BlockSpec((C, BR), lambda i: (0, i)),
        pl.BlockSpec((SUBL, 128), lambda i: (i, 0)),
    ],
    out_specs=[
        pl.BlockSpec((SUBL, 128), lambda i: (i, 0)),
        pl.BlockSpec((SUBL, 128), lambda i: (i, 0)),
    ],
    out_shape=[
        jax.ShapeDtypeStruct((128, 128), jnp.float32),
        jax.ShapeDtypeStruct((128, 128), jnp.float32),
    ],
)


@functools.cache
def _get_sc_hist():
    return pl.kernel(
        _sc_hist_body,
        out_type=jax.ShapeDtypeStruct((LANES,), jnp.float32),
        mesh=plsc.VectorSubcoreMesh(core_axis_name="c", subcore_axis_name="s",
                                    num_cores=1),
        scratch_types=[
            pltpu.VMEM((SCR, 128), jnp.float32),
            pltpu.VMEM((SCR, 128), jnp.float32),
            pltpu.VMEM((LANES, LANES), jnp.float32),
            pltpu.VMEM_SHARED((NSUB, LANES), jnp.float32),
            pltpu.VMEM((NSUB, LANES), jnp.float32),
            pltpu.VMEM((LANES,), jnp.float32),
            pltpu.SemaphoreType.DMA,
            pltpu.SemaphoreType.DMA,
        ],
        compiler_params=pltpu.CompilerParams(needs_layout_passes=False),
    )


def _sc_hist_body(conf_hbm, acc_hbm, out_hbm, conf_v, acc_v, hist_v,
                  shared, sums_v, row_v, sem1, sem2):
    sid = lax.axis_index("s")
    cp1 = pltpu.async_copy(conf_hbm.at[pl.ds(sid * SCR, SCR)], conf_v, sem1)
    cp2 = pltpu.async_copy(acc_hbm.at[pl.ds(sid * SCR, SCR)], acc_v, sem2)
    cp1.wait()
    cp2.wait()
    zeros = jnp.zeros((LANES,), jnp.float32)
    for r in range(LANES):
        hist_v[r] = zeros
    lane = lax.iota(jnp.int32, LANES)

    def body(r, carry):
        for j in range(128 // LANES):
            c = conf_v[r, pl.ds(j * LANES, LANES)]
            a = acc_v[r, pl.ds(j * LANES, LANES)]
            t = c * jnp.float32(N_BINS)
            bi = t.astype(jnp.int32)
            is_int = (bi.astype(jnp.float32) == t).astype(jnp.int32)
            b = jnp.minimum(jnp.maximum(bi - is_int, 0), N_BINS - 1)
            plsc.addupdate_scatter(hist_v, [lane, b], c - a, mask=c > 0.0)
        return carry

    lax.fori_loop(0, SCR, body, 0)

    tot = hist_v[0]
    comp = jnp.zeros((LANES,), jnp.float32)
    for r in range(1, LANES):
        y = hist_v[r] - comp
        t = tot + y
        comp = (t - tot) - y
        tot = t
    row_v[...] = tot
    pltpu.sync_copy(row_v, shared.at[sid])
    plsc.subcore_barrier()

    @pl.when(sid == 0)
    def _tile0():
        pltpu.sync_copy(shared, sums_v)
        g = sums_v[0]
        gc = jnp.zeros((LANES,), jnp.float32)
        for r in range(1, NSUB):
            y = sums_v[r] - gc
            t = g + y
            gc = (t - g) - y
            g = t
        ece = jnp.sum(jnp.abs(g)) * jnp.float32(1.0 / N)
        row_v[...] = jnp.broadcast_to(ece, (LANES,))
        pltpu.sync_copy(row_v, out_hbm)


def kernel(softmaxes, labels):
    conf2, acc2 = _tc_call(softmaxes.T, labels.reshape(128, 128))
    ece16 = _get_sc_hist()(conf2, acc2)
    return ece16[:1]

# --- scband reference (transcript-rebuilt; emitter-appended) ---
"""Pipeline reference for scband-eceloss-5282809774396 (READ-ONLY COPY).

The authoritative reference and input builder live on the scoring server;
editing this copy changes nothing except your own understanding.
"""

import jax, jax.numpy as jnp
import numpy as np

N_BINS = 15
N = 16384
C = 1000

def setup_inputs(seed: int = 0) -> dict:
    key = jax.random.key(seed)
    k1, k2 = jax.random.split(key)
    softmaxes = jax.random.uniform(k1, (N, C), dtype=jnp.float32)
    labels = jax.random.randint(k2, (N,), 0, C, dtype=jnp.int32)
    return {"softmaxes": softmaxes, "labels": labels}

def reference(softmaxes, labels):
    bin_boundaries = jnp.linspace(0.0, 1.0, N_BINS + 1)
    bin_lowers = bin_boundaries[:-1]
    bin_uppers = bin_boundaries[1:]
    confidences = jnp.max(softmaxes, axis=1)
    predictions = jnp.argmax(softmaxes, axis=1)
    accuracies = (predictions == labels).astype(jnp.float32)
    ece = jnp.zeros((1,), dtype=softmaxes.dtype)
    for i in range(N_BINS):
        in_bin = (confidences > bin_lowers[i]) & (confidences <= bin_uppers[i])
        in_bin_f = in_bin.astype(jnp.float32)
        prop_in_bin = jnp.mean(in_bin_f)
        cnt = jnp.sum(in_bin_f)
        safe_cnt = jnp.maximum(cnt, 1.0)
        accuracy_in_bin = jnp.sum(accuracies * in_bin_f) / safe_cnt
        avg_confidence_in_bin = jnp.sum(confidences * in_bin_f) / safe_cnt
        contrib = jnp.abs(avg_confidence_in_bin - accuracy_in_bin) * prop_in_bin
        ece = ece + jnp.where(prop_in_bin > 0, contrib, 0.0)
    return ece

if __name__ == "__main__":
    import jax
    _d = setup_inputs()
    print(jax.jit(kernel)(*tuple(_d.values())))

</pallas_src>

<mosaic_0001>
#map = affine_map<(d0, d1) -> (0, 0)>
#map1 = affine_map<(d0, d1) -> (0)>
module attributes {stable_mosaic.version = 14 : i64} {
  func.func @_sc_hist_body(%arg0: i32, %arg1: i32, %arg2: memref<128x128xf32, #tpu.memory_space<hbm>>, %arg3: memref<128x128xf32, #tpu.memory_space<hbm>>, %arg4: memref<16xf32, #tpu.memory_space<hbm>>, %arg5: memref<8x128xf32, #tpu.memory_space<vmem>>, %arg6: memref<8x128xf32, #tpu.memory_space<vmem>>, %arg7: memref<16x16xf32, #tpu.memory_space<vmem>>, %arg8: memref<16x16xf32, #tpu.memory_space<vmem_shared>>, %arg9: memref<16x16xf32, #tpu.memory_space<vmem>>, %arg10: memref<16xf32, #tpu.memory_space<vmem>>, %arg11: memref<!tpu.dma_semaphore, #tpu.memory_space<semaphore_mem>>, %arg12: memref<!tpu.dma_semaphore, #tpu.memory_space<semaphore_mem>>) attributes {dimension_semantics = [#tpu.dimension_semantics<core_parallel>, #tpu.dimension_semantics<subcore_parallel>], iteration_bounds = array<i64: 1, 16>, scalar_prefetch = 0 : i64, scratch_operands = 8 : i64, tpu.core_type = #tpu.core_type<sc_vector_subcore>, window_params = [{transform_indices = #map}, {transform_indices = #map}, {transform_indices = #map1}]} {
    %mul3A = arith.constant 8 : i32
    %mul3A_0 = arith.muli %arg1, %mul3A : i32
    %dma_start3A = arith.constant 0 : i32
    %dma_start3A_1 = tpu.memref_slice %arg2[%mul3A_0, %dma_start3A] : memref<128x128xf32, #tpu.memory_space<hbm>> -> memref<8x128xf32, #tpu.memory_space<hbm>>
    %dma_start3A_2 = arith.constant 0 : i32
    %dma_start3A_3 = tpu.memref_slice %arg2[%mul3A_0, %dma_start3A_2] : memref<128x128xf32, #tpu.memory_space<hbm>> -> memref<8x128xf32, #tpu.memory_space<hbm>>
    tpu.enqueue_dma source(%dma_start3A_3 : memref<8x128xf32, #tpu.memory_space<hbm>>) target(%arg5 : memref<8x128xf32, #tpu.memory_space<vmem>>) target_semaphore(%arg11 : memref<!tpu.dma_semaphore, #tpu.memory_space<semaphore_mem>>)
    %mul3A_4 = arith.constant 8 : i32
    %mul3A_5 = arith.muli %arg1, %mul3A_4 : i32
    %dma_start3A_6 = arith.constant 0 : i32
    %dma_start3A_7 = tpu.memref_slice %arg3[%mul3A_5, %dma_start3A_6] : memref<128x128xf32, #tpu.memory_space<hbm>> -> memref<8x128xf32, #tpu.memory_space<hbm>>
    %dma_start3A_8 = arith.constant 0 : i32
    %dma_start3A_9 = tpu.memref_slice %arg3[%mul3A_5, %dma_start3A_8] : memref<128x128xf32, #tpu.memory_space<hbm>> -> memref<8x128xf32, #tpu.memory_space<hbm>>
    tpu.enqueue_dma source(%dma_start3A_9 : memref<8x128xf32, #tpu.memory_space<hbm>>) target(%arg6 : memref<8x128xf32, #tpu.memory_space<vmem>>) target_semaphore(%arg12 : memref<!tpu.dma_semaphore, #tpu.memory_space<semaphore_mem>>)
    %dma_wait3A = arith.constant 0 : i32
    %dma_wait3A_10 = tpu.memref_slice %arg2[%mul3A_0, %dma_wait3A] : memref<128x128xf32, #tpu.memory_space<hbm>> -> memref<8x128xf32, #tpu.memory_space<hbm>>
    %dma_wait3A_11 = arith.constant 0 : i32
    %dma_wait3A_12 = tpu.memref_slice %arg2[%mul3A_0, %dma_wait3A_11] : memref<128x128xf32, #tpu.memory_space<hbm>> -> memref<8x128xf32, #tpu.memory_space<hbm>>
    tpu.wait_dma2 semaphore(%arg11 : memref<!tpu.dma_semaphore, #tpu.memory_space<semaphore_mem>>) src(%dma_wait3A_12 : memref<8x128xf32, #tpu.memory_space<hbm>>) dst(%arg5 : memref<8x128xf32, #tpu.memory_space<vmem>>)
    %dma_wait3A_13 = arith.constant 0 : i32
    %dma_wait3A_14 = tpu.memref_slice %arg3[%mul3A_5, %dma_wait3A_13] : memref<128x128xf32, #tpu.memory_space<hbm>> -> memref<8x128xf32, #tpu.memory_space<hbm>>
    %dma_wait3A_15 = arith.constant 0 : i32
    %dma_wait3A_16 = tpu.memref_slice %arg3[%mul3A_5, %dma_wait3A_15] : memref<128x128xf32, #tpu.memory_space<hbm>> -> memref<8x128xf32, #tpu.memory_space<hbm>>
    tpu.wait_dma2 semaphore(%arg12 : memref<!tpu.dma_semaphore, #tpu.memory_space<semaphore_mem>>) src(%dma_wait3A_16 : memref<8x128xf32, #tpu.memory_space<hbm>>) dst(%arg6 : memref<8x128xf32, #tpu.memory_space<vmem>>)
    %broadcast_in_dim3A = arith.constant 0.000000e+00 : f32
    %broadcast_in_dim3A_17 = vector.broadcast %broadcast_in_dim3A : f32 to vector<16xf32>
    %swap3A = arith.constant 0 : i32
    %swap3A_18 = arith.index_cast %swap3A : i32 to index
    %swap3A_19 = arith.constant 0 : index
    %swap3A_20 = tpu.vector_load %arg7[%swap3A_18, %swap3A_19] {strides = array<i32>} : memref<16x16xf32, #tpu.memory_space<vmem>>, vector<16xf32>,
    tpu.vector_store %arg7[%swap3A_18, %swap3A_19], %broadcast_in_dim3A_17 {strides = array<i32>} : memref<16x16xf32, #tpu.memory_space<vmem>>, vector<16xf32>,
    %swap3A_21 = arith.constant 1 : i32
    %swap3A_22 = arith.index_cast %swap3A_21 : i32 to index
    %swap3A_23 = arith.constant 0 : index
    %swap3A_24 = tpu.vector_load %arg7[%swap3A_22, %swap3A_23] {strides = array<i32>} : memref<16x16xf32, #tpu.memory_space<vmem>>, vector<16xf32>,
    tpu.vector_store %arg7[%swap3A_22, %swap3A_23], %broadcast_in_dim3A_17 {strides = array<i32>} : memref<16x16xf32, #tpu.memory_space<vmem>>, vector<16xf32>,
    %swap3A_25 = arith.constant 2 : i32
    %swap3A_26 = arith.index_cast %swap3A_25 : i32 to index
    %swap3A_27 = arith.constant 0 : index
    %swap3A_28 = tpu.vector_load %arg7[%swap3A_26, %swap3A_27] {strides = array<i32>} : memref<16x16xf32, #tpu.memory_space<vmem>>, vector<16xf32>,
    tpu.vector_store %arg7[%swap3A_26, %swap3A_27], %broadcast_in_dim3A_17 {strides = array<i32>} : memref<16x16xf32, #tpu.memory_space<vmem>>, vector<16xf32>,
    %swap3A_29 = arith.constant 3 : i32
    %swap3A_30 = arith.index_cast %swap3A_29 : i32 to index
    %swap3A_31 = arith.constant 0 : index
    %swap3A_32 = tpu.vector_load %arg7[%swap3A_30, %swap3A_31] {strides = array<i32>} : memref<16x16xf32, #tpu.memory_space<vmem>>, vector<16xf32>,
    tpu.vector_store %arg7[%swap3A_30, %swap3A_31], %broadcast_in_dim3A_17 {strides = array<i32>} : memref<16x16xf32, #tpu.memory_space<vmem>>, vector<16xf32>,
    %swap3A_33 = arith.constant 4 : i32
    %swap3A_34 = arith.index_cast %swap3A_33 : i32 to index
    %swap3A_35 = arith.constant 0 : index
    %swap3A_36 = tpu.vector_load %arg7[%swap3A_34, %swap3A_35] {strides = array<i32>} : memref<16x16xf32, #tpu.memory_space<vmem>>, vector<16xf32>,
    tpu.vector_store %arg7[%swap3A_34, %swap3A_35], %broadcast_in_dim3A_17 {strides = array<i32>} : memref<16x16xf32, #tpu.memory_space<vmem>>, vector<16xf32>,
    %swap3A_37 = arith.constant 5 : i32
    %swap3A_38 = arith.index_cast %swap3A_37 : i32 to index
    %swap3A_39 = arith.constant 0 : index
    %swap3A_40 = tpu.vector_load %arg7[%swap3A_38, %swap3A_39] {strides = array<i32>} : memref<16x16xf32, #tpu.memory_space<vmem>>, vector<16xf32>,
    tpu.vector_store %arg7[%swap3A_38, %swap3A_39], %broadcast_in_dim3A_17 {strides = array<i32>} : memref<16x16xf32, #tpu.memory_space<vmem>>, vector<16xf32>,
    %swap3A_41 = arith.constant 6 : i32
    %swap3A_42 = arith.index_cast %swap3A_41 : i32 to index
    %swap3A_43 = arith.constant 0 : index
    %swap3A_44 = tpu.vector_load %arg7[%swap3A_42, %swap3A_43] {strides = array<i32>} : memref<16x16xf32, #tpu.memory_space<vmem>>, vector<16xf32>,
    tpu.vector_store %arg7[%swap3A_42, %swap3A_43], %broadcast_in_dim3A_17 {strides = array<i32>} : memref<16x16xf32, #tpu.memory_space<vmem>>, vector<16xf32>,
    %swap3A_45 = arith.constant 7 : i32
    %swap3A_46 = arith.index_cast %swap3A_45 : i32 to index
    %swap3A_47 = arith.constant 0 : index
    %swap3A_48 = tpu.vector_load %arg7[%swap3A_46, %swap3A_47] {strides = array<i32>} : memref<16x16xf32, #tpu.memory_space<vmem>>, vector<16xf32>,
    tpu.vector_store %arg7[%swap3A_46, %swap3A_47], %broadcast_in_dim3A_17 {strides = array<i32>} : memref<16x16xf32, #tpu.memory_space<vmem>>, vector<16xf32>,
    %swap3A_49 = arith.constant 8 : i32
    %swap3A_50 = arith.index_cast %swap3A_49 : i32 to index
    %swap3A_51 = arith.constant 0 : index
    %swap3A_52 = tpu.vector_load %arg7[%swap3A_50, %swap3A_51] {strides = array<i32>} : memref<16x16xf32, #tpu.memory_space<vmem>>, vector<16xf32>,
    tpu.vector_store %arg7[%swap3A_50, %swap3A_51], %broadcast_in_dim3A_17 {strides = array<i32>} : memref<16x16xf32, #tpu.memory_space<vmem>>, vector<16xf32>,
    %swap3A_53 = arith.constant 9 : i32
    %swap3A_54 = arith.index_cast %swap3A_53 : i32 to index
    %swap3A_55 = arith.constant 0 : index
    %swap3A_56 = tpu.vector_load %arg7[%swap3A_54, %swap3A_55] {strides = array<i32>} : memref<16x16xf32, #tpu.memory_space<vmem>>, vector<16xf32>,
    tpu.vector_store %arg7[%swap3A_54, %swap3A_55], %broadcast_in_dim3A_17 {strides = array<i32>} : memref<16x16xf32, #tpu.memory_space<vmem>>, vector<16xf32>,
    %swap3A_57 = arith.constant 10 : i32
    %swap3A_58 = arith.index_cast %swap3A_57 : i32 to index
    %swap3A_59 = arith.constant 0 : index
    %swap3A_60 = tpu.vector_load %arg7[%swap3A_58, %swap3A_59] {strides = array<i32>} : memref<16x16xf32, #tpu.memory_space<vmem>>, vector<16xf32>,
    tpu.vector_store %arg7[%swap3A_58, %swap3A_59], %broadcast_in_dim3A_17 {strides = array<i32>} : memref<16x16xf32, #tpu.memory_space<vmem>>, vector<16xf32>,
    %swap3A_61 = arith.constant 11 : i32
    %swap3A_62 = arith.index_cast %swap3A_61 : i32 to index
    %swap3A_63 = arith.constant 0 : index
    %swap3A_64 = tpu.vector_load %arg7[%swap3A_62, %swap3A_63] {strides = array<i32>} : memref<16x16xf32, #tpu.memory_space<vmem>>, vector<16xf32>,
    tpu.vector_store %arg7[%swap3A_62, %swap3A_63], %broadcast_in_dim3A_17 {strides = array<i32>} : memref<16x16xf32, #tpu.memory_space<vmem>>, vector<16xf32>,
    %swap3A_65 = arith.constant 12 : i32
    %swap3A_66 = arith.index_cast %swap3A_65 : i32 to index
    %swap3A_67 = arith.constant 0 : index
    %swap3A_68 = tpu.vector_load %arg7[%swap3A_66, %swap3A_67] {strides = array<i32>} : memref<16x16xf32, #tpu.memory_space<vmem>>, vector<16xf32>,
    tpu.vector_store %arg7[%swap3A_66, %swap3A_67], %broadcast_in_dim3A_17 {strides = array<i32>} : memref<16x16xf32, #tpu.memory_space<vmem>>, vector<16xf32>,
    %swap3A_69 = arith.constant 13 : i32
    %swap3A_70 = arith.index_cast %swap3A_69 : i32 to index
    %swap3A_71 = arith.constant 0 : index
    %swap3A_72 = tpu.vector_load %arg7[%swap3A_70, %swap3A_71] {strides = array<i32>} : memref<16x16xf32, #tpu.memory_space<vmem>>, vector<16xf32>,
    tpu.vector_store %arg7[%swap3A_70, %swap3A_71], %broadcast_in_dim3A_17 {strides = array<i32>} : memref<16x16xf32, #tpu.memory_space<vmem>>, vector<16xf32>,
    %swap3A_73 = arith.constant 14 : i32
    %swap3A_74 = arith.index_cast %swap3A_73 : i32 to index
    %swap3A_75 = arith.constant 0 : index
    %swap3A_76 = tpu.vector_load %arg7[%swap3A_74, %swap3A_75] {strides = array<i32>} : memref<16x16xf32, #tpu.memory_space<vmem>>, vector<16xf32>,
    tpu.vector_store %arg7[%swap3A_74, %swap3A_75], %broadcast_in_dim3A_17 {strides = array<i32>} : memref<16x16xf32, #tpu.memory_space<vmem>>, vector<16xf32>,
    %swap3A_77 = arith.constant 15 : i32
    %swap3A_78 = arith.index_cast %swap3A_77 : i32 to index
    %swap3A_79 = arith.constant 0 : index
    %swap3A_80 = tpu.vector_load %arg7[%swap3A_78, %swap3A_79] {strides = array<i32>} : memref<16x16xf32, #tpu.memory_space<vmem>>, vector<16xf32>,
    tpu.vector_store %arg7[%swap3A_78, %swap3A_79], %broadcast_in_dim3A_17 {strides = array<i32>} : memref<16x16xf32, #tpu.memory_space<vmem>>, vector<16xf32>,
    %iota3A = tpu.iota {dimensions = array<i32: 0>} : vector<16xi32>
    %scan3A = arith.constant 0 : i32
    %scan3A_81 = arith.constant 0 : i32
    %scan3A_82 = arith.constant 8 : i32
    %scan3A_83 = arith.addi %scan3A_81, %scan3A_82 : i32
    %scan3A_84 = arith.constant 1 : i32
    scf.for %scan3A_213 = %scan3A_81 to %scan3A_83 step %scan3A_84  : i32 {
      %get3A_214 = arith.index_cast %scan3A_213 : i32 to index
      %get3A_215 = arith.constant 0 : index
      %get3A_216 = tpu.vector_load %arg5[%get3A_214, %get3A_215] {strides = array<i32>} : memref<8x128xf32, #tpu.memory_space<vmem>>, vector<16xf32>,
      %get3A_217 = arith.index_cast %scan3A_213 : i32 to index
      %get3A_218 = arith.constant 0 : index
      %get3A_219 = tpu.vector_load %arg6[%get3A_217, %get3A_218] {strides = array<i32>} : memref<8x128xf32, #tpu.memory_space<vmem>>, vector<16xf32>,
      %mul3A_220 = arith.constant 1.500000e+01 : f32
      %mul3A_221 = vector.broadcast %mul3A_220 : f32 to vector<16xf32>
      %mul3A_222 = arith.mulf %get3A_216, %mul3A_221 : vector<16xf32>
      %convert_element_type3A_223 = arith.fptosi %mul3A_222 : vector<16xf32> to vector<16xi32>
      %convert_element_type3A_224 = arith.sitofp %convert_element_type3A_223 : vector<16xi32> to vector<16xf32>
      %eq3A_225 = arith.cmpf oeq, %convert_element_type3A_224, %mul3A_222 : vector<16xf32>
      %convert_element_type3A_226 = arith.extui %eq3A_225 : vector<16xi1> to vector<16xi32>
      %sub3A_227 = arith.subi %convert_element_type3A_223, %convert_element_type3A_226 : vector<16xi32>
      %max3A = arith.constant 0 : i32
      %max3A_228 = vector.broadcast %max3A : i32 to vector<16xi32>
      %max3A_229 = arith.maxsi %sub3A_227, %max3A_228 : vector<16xi32>
      %min3A = arith.constant 14 : i32
      %min3A_230 = vector.broadcast %min3A : i32 to vector<16xi32>
      %min3A_231 = arith.minsi %max3A_229, %min3A_230 : vector<16xi32>
      %sub3A_232 = arith.subf %get3A_216, %get3A_219 : vector<16xf32>
      %gt3A = arith.constant 0.000000e+00 : f32
      %gt3A_233 = vector.broadcast %gt3A : f32 to vector<16xf32>
      %gt3A_234 = arith.cmpf ogt, %get3A_216, %gt3A_233 : vector<16xf32>
      tpu.vector_store_idx %arg7[%iota3A, %min3A_231], %sub3A_232 masked %gt3A_234 {add = true} : memref<16x16xf32, #tpu.memory_space<vmem>>[vector<16xi32>, vector<16xi32>], vector<16xf32>, vector<16xi1>
      %get3A_235 = arith.index_cast %scan3A_213 : i32 to index
      %get3A_236 = arith.constant 16 : index
      %get3A_237 = tpu.vector_load %arg5[%get3A_235, %get3A_236] {strides = array<i32>} : memref<8x128xf32, #tpu.memory_space<vmem>>, vector<16xf32>,
      %get3A_238 = arith.index_cast %scan3A_213 : i32 to index
      %get3A_239 = arith.constant 16 : index
      %get3A_240 = tpu.vector_load %arg6[%get3A_238, %get3A_239] {strides = array<i32>} : memref<8x128xf32, #tpu.memory_space<vmem>>, vector<16xf32>,
      %mul3A_241 = arith.constant 1.500000e+01 : f32
      %mul3A_242 = vector.broadcast %mul3A_241 : f32 to vector<16xf32>
      %mul3A_243 = arith.mulf %get3A_237, %mul3A_242 : vector<16xf32>
      %convert_element_type3A_244 = arith.fptosi %mul3A_243 : vector<16xf32> to vector<16xi32>
      %convert_element_type3A_245 = arith.sitofp %convert_element_type3A_244 : vector<16xi32> to vector<16xf32>
      %eq3A_246 = arith.cmpf oeq, %convert_element_type3A_245, %mul3A_243 : vector<16xf32>
      %convert_element_type3A_247 = arith.extui %eq3A_246 : vector<16xi1> to vector<16xi32>
      %sub3A_248 = arith.subi %convert_element_type3A_244, %convert_element_type3A_247 : vector<16xi32>
      %max3A_249 = arith.constant 0 : i32
      %max3A_250 = vector.broadcast %max3A_249 : i32 to vector<16xi32>
      %max3A_251 = arith.maxsi %sub3A_248, %max3A_250 : vector<16xi32>
      %min3A_252 = arith.constant 14 : i32
      %min3A_253 = vector.broadcast %min3A_252 : i32 to vector<16xi32>
      %min3A_254 = arith.minsi %max3A_251, %min3A_253 : vector<16xi32>
      %sub3A_255 = arith.subf %get3A_237, %get3A_240 : vector<16xf32>
      %gt3A_256 = arith.constant 0.000000e+00 : f32
      %gt3A_257 = vector.broadcast %gt3A_256 : f32 to vector<16xf32>
      %gt3A_258 = arith.cmpf ogt, %get3A_237, %gt3A_257 : vector<16xf32>
      tpu.vector_store_idx %arg7[%iota3A, %min3A_254], %sub3A_255 masked %gt3A_258 {add = true} : memref<16x16xf32, #tpu.memory_space<vmem>>[vector<16xi32>, vector<16xi32>], vector<16xf32>, vector<16xi1>
      %get3A_259 = arith.index_cast %scan3A_213 : i32 to index
      %get3A_260 = arith.constant 32 : index
      %get3A_261 = tpu.vector_load %arg5[%get3A_259, %get3A_260] {strides = array<i32>} : memref<8x128xf32, #tpu.memory_space<vmem>>, vector<16xf32>,
      %get3A_262 = arith.index_cast %scan3A_213 : i32 to index
      %get3A_263 = arith.constant 32 : index
      %get3A_264 = tpu.vector_load %arg6[%get3A_262, %get3A_263] {strides = array<i32>} : memref<8x128xf32, #tpu.memory_space<vmem>>, vector<16xf32>,
      %mul3A_265 = arith.constant 1.500000e+01 : f32
      %mul3A_266 = vector.broadcast %mul3A_265 : f32 to vector<16xf32>
      %mul3A_267 = arith.mulf %get3A_261, %mul3A_266 : vector<16xf32>
      %convert_element_type3A_268 = arith.fptosi %mul3A_267 : vector<16xf32> to vector<16xi32>
      %convert_element_type3A_269 = arith.sitofp %convert_element_type3A_268 : vector<16xi32> to vector<16xf32>
      %eq3A_270 = arith.cmpf oeq, %convert_element_type3A_269, %mul3A_267 : vector<16xf32>
      %convert_element_type3A_271 = arith.extui %eq3A_270 : vector<16xi1> to vector<16xi32>
      %sub3A_272 = arith.subi %convert_element_type3A_268, %convert_element_type3A_271 : vector<16xi32>
      %max3A_273 = arith.constant 0 : i32
      %max3A_274 = vector.broadcast %max3A_273 : i32 to vector<16xi32>
      %max3A_275 = arith.maxsi %sub3A_272, %max3A_274 : vector<16xi32>
      %min3A_276 = arith.constant 14 : i32
      %min3A_277 = vector.broadcast %min3A_276 : i32 to vector<16xi32>
      %min3A_278 = arith.minsi %max3A_275, %min3A_277 : vector<16xi32>
      %sub3A_279 = arith.subf %get3A_261, %get3A_264 : vector<16xf32>
      %gt3A_280 = arith.constant 0.000000e+00 : f32
      %gt3A_281 = vector.broadcast %gt3A_280 : f32 to vector<16xf32>
      %gt3A_282 = arith.cmpf ogt, %get3A_261, %gt3A_281 : vector<16xf32>
      tpu.vector_store_idx %arg7[%iota3A, %min3A_278], %sub3A_279 masked %gt3A_282 {add = true} : memref<16x16xf32, #tpu.memory_space<vmem>>[vector<16xi32>, vector<16xi32>], vector<16xf32>, vector<16xi1>
      %get3A_283 = arith.index_cast %scan3A_213 : i32 to index
      %get3A_284 = arith.constant 48 : index
      %get3A_285 = tpu.vector_load %arg5[%get3A_283, %get3A_284] {strides = array<i32>} : memref<8x128xf32, #tpu.memory_space<vmem>>, vector<16xf32>,
      %get3A_286 = arith.index_cast %scan3A_213 : i32 to index
      %get3A_287 = arith.constant 48 : index
      %get3A_288 = tpu.vector_load %arg6[%get3A_286, %get3A_287] {strides = array<i32>} : memref<8x128xf32, #tpu.memory_space<vmem>>, vector<16xf32>,
      %mul3A_289 = arith.constant 1.500000e+01 : f32
      %mul3A_290 = vector.broadcast %mul3A_289 : f32 to vector<16xf32>
      %mul3A_291 = arith.mulf %get3A_285, %mul3A_290 : vector<16xf32>
      %convert_element_type3A_292 = arith.fptosi %mul3A_291 : vector<16xf32> to vector<16xi32>
      %convert_element_type3A_293 = arith.sitofp %convert_element_type3A_292 : vector<16xi32> to vector<16xf32>
      %eq3A_294 = arith.cmpf oeq, %convert_element_type3A_293, %mul3A_291 : vector<16xf32>
      %convert_element_type3A_295 = arith.extui %eq3A_294 : vector<16xi1> to vector<16xi32>
      %sub3A_296 = arith.subi %convert_element_type3A_292, %convert_element_type3A_295 : vector<16xi32>
      %max3A_297 = arith.constant 0 : i32
      %max3A_298 = vector.broadcast %max3A_297 : i32 to vector<16xi32>
      %max3A_299 = arith.maxsi %sub3A_296, %max3A_298 : vector<16xi32>
      %min3A_300 = arith.constant 14 : i32
      %min3A_301 = vector.broadcast %min3A_300 : i32 to vector<16xi32>
      %min3A_302 = arith.minsi %max3A_299, %min3A_301 : vector<16xi32>
      %sub3A_303 = arith.subf %get3A_285, %get3A_288 : vector<16xf32>
      %gt3A_304 = arith.constant 0.000000e+00 : f32
      %gt3A_305 = vector.broadcast %gt3A_304 : f32 to vector<16xf32>
      %gt3A_306 = arith.cmpf ogt, %get3A_285, %gt3A_305 : vector<16xf32>
      tpu.vector_store_idx %arg7[%iota3A, %min3A_302], %sub3A_303 masked %gt3A_306 {add = true} : memref<16x16xf32, #tpu.memory_space<vmem>>[vector<16xi32>, vector<16xi32>], vector<16xf32>, vector<16xi1>
      %get3A_307 = arith.index_cast %scan3A_213 : i32 to index
      %get3A_308 = arith.constant 64 : index
      %get3A_309 = tpu.vector_load %arg5[%get3A_307, %get3A_308] {strides = array<i32>} : memref<8x128xf32, #tpu.memory_space<vmem>>, vector<16xf32>,
      %get3A_310 = arith.index_cast %scan3A_213 : i32 to index
      %get3A_311 = arith.constant 64 : index
      %get3A_312 = tpu.vector_load %arg6[%get3A_310, %get3A_311] {strides = array<i32>} : memref<8x128xf32, #tpu.memory_space<vmem>>, vector<16xf32>,
      %mul3A_313 = arith.constant 1.500000e+01 : f32
      %mul3A_314 = vector.broadcast %mul3A_313 : f32 to vector<16xf32>
      %mul3A_315 = arith.mulf %get3A_309, %mul3A_314 : vector<16xf32>
      %convert_element_type3A_316 = arith.fptosi %mul3A_315 : vector<16xf32> to vector<16xi32>
      %convert_element_type3A_317 = arith.sitofp %convert_element_type3A_316 : vector<16xi32> to vector<16xf32>
      %eq3A_318 = arith.cmpf oeq, %convert_element_type3A_317, %mul3A_315 : vector<16xf32>
      %convert_element_type3A_319 = arith.extui %eq3A_318 : vector<16xi1> to vector<16xi32>
      %sub3A_320 = arith.subi %convert_element_type3A_316, %convert_element_type3A_319 : vector<16xi32>
      %max3A_321 = arith.constant 0 : i32
      %max3A_322 = vector.broadcast %max3A_321 : i32 to vector<16xi32>
      %max3A_323 = arith.maxsi %sub3A_320, %max3A_322 : vector<16xi32>
      %min3A_324 = arith.constant 14 : i32
      %min3A_325 = vector.broadcast %min3A_324 : i32 to vector<16xi32>
      %min3A_326 = arith.minsi %max3A_323, %min3A_325 : vector<16xi32>
      %sub3A_327 = arith.subf %get3A_309, %get3A_312 : vector<16xf32>
      %gt3A_328 = arith.constant 0.000000e+00 : f32
      %gt3A_329 = vector.broadcast %gt3A_328 : f32 to vector<16xf32>
      %gt3A_330 = arith.cmpf ogt, %get3A_309, %gt3A_329 : vector<16xf32>
      tpu.vector_store_idx %arg7[%iota3A, %min3A_326], %sub3A_327 masked %gt3A_330 {add = true} : memref<16x16xf32, #tpu.memory_space<vmem>>[vector<16xi32>, vector<16xi32>], vector<16xf32>, vector<16xi1>
      %get3A_331 = arith.index_cast %scan3A_213 : i32 to index
      %get3A_332 = arith.constant 80 : index
      %get3A_333 = tpu.vector_load %arg5[%get3A_331, %get3A_332] {strides = array<i32>} : memref<8x128xf32, #tpu.memory_space<vmem>>, vector<16xf32>,
      %get3A_334 = arith.index_cast %scan3A_213 : i32 to index
      %get3A_335 = arith.constant 80 : index
      %get3A_336 = tpu.vector_load %arg6[%get3A_334, %get3A_335] {strides = array<i32>} : memref<8x128xf32, #tpu.memory_space<vmem>>, vector<16xf32>,
      %mul3A_337 = arith.constant 1.500000e+01 : f32
      %mul3A_338 = vector.broadcast %mul3A_337 : f32 to vector<16xf32>
      %mul3A_339 = arith.mulf %get3A_333, %mul3A_338 : vector<16xf32>
      %convert_element_type3A_340 = arith.fptosi %mul3A_339 : vector<16xf32> to vector<16xi32>
      %convert_element_type3A_341 = arith.sitofp %convert_element_type3A_340 : vector<16xi32> to vector<16xf32>
      %eq3A_342 = arith.cmpf oeq, %convert_element_type3A_341, %mul3A_339 : vector<16xf32>
      %convert_element_type3A_343 = arith.extui %eq3A_342 : vector<16xi1> to vector<16xi32>
      %sub3A_344 = arith.subi %convert_element_type3A_340, %convert_element_type3A_343 : vector<16xi32>
      %max3A_345 = arith.constant 0 : i32
      %max3A_346 = vector.broadcast %max3A_345 : i32 to vector<16xi32>
      %max3A_347 = arith.maxsi %sub3A_344, %max3A_346 : vector<16xi32>
      %min3A_348 = arith.constant 14 : i32
      %min3A_349 = vector.broadcast %min3A_348 : i32 to vector<16xi32>
      %min3A_350 = arith.minsi %max3A_347, %min3A_349 : vector<16xi32>
      %sub3A_351 = arith.subf %get3A_333, %get3A_336 : vector<16xf32>
      %gt3A_352 = arith.constant 0.000000e+00 : f32
      %gt3A_353 = vector.broadcast %gt3A_352 : f32 to vector<16xf32>
      %gt3A_354 = arith.cmpf ogt, %get3A_333, %gt3A_353 : vector<16xf32>
      tpu.vector_store_idx %arg7[%iota3A, %min3A_350], %sub3A_351 masked %gt3A_354 {add = true} : memref<16x16xf32, #tpu.memory_space<vmem>>[vector<16xi32>, vector<16xi32>], vector<16xf32>, vector<16xi1>
      %get3A_355 = arith.index_cast %scan3A_213 : i32 to index
      %get3A_356 = arith.constant 96 : index
      %get3A_357 = tpu.vector_load %arg5[%get3A_355, %get3A_356] {strides = array<i32>} : memref<8x128xf32, #tpu.memory_space<vmem>>, vector<16xf32>,
      %get3A_358 = arith.index_cast %scan3A_213 : i32 to index
      %get3A_359 = arith.constant 96 : index
      %get3A_360 = tpu.vector_load %arg6[%get3A_358, %get3A_359] {strides = array<i32>} : memref<8x128xf32, #tpu.memory_space<vmem>>, vector<16xf32>,
      %mul3A_361 = arith.constant 1.500000e+01 : f32
      %mul3A_362 = vector.broadcast %mul3A_361 : f32 to vector<16xf32>
      %mul3A_363 = arith.mulf %get3A_357, %mul3A_362 : vector<16xf32>
      %convert_element_type3A_364 = arith.fptosi %mul3A_363 : vector<16xf32> to vector<16xi32>
      %convert_element_type3A_365 = arith.sitofp %convert_element_type3A_364 : vector<16xi32> to vector<16xf32>
      %eq3A_366 = arith.cmpf oeq, %convert_element_type3A_365, %mul3A_363 : vector<16xf32>
      %convert_element_type3A_367 = arith.extui %eq3A_366 : vector<16xi1> to vector<16xi32>
      %sub3A_368 = arith.subi %convert_element_type3A_364, %convert_element_type3A_367 : vector<16xi32>
      %max3A_369 = arith.constant 0 : i32
      %max3A_370 = vector.broadcast %max3A_369 : i32 to vector<16xi32>
      %max3A_371 = arith.maxsi %sub3A_368, %max3A_370 : vector<16xi32>
      %min3A_372 = arith.constant 14 : i32
      %min3A_373 = vector.broadcast %min3A_372 : i32 to vector<16xi32>
      %min3A_374 = arith.minsi %max3A_371, %min3A_373 : vector<16xi32>
      %sub3A_375 = arith.subf %get3A_357, %get3A_360 : vector<16xf32>
      %gt3A_376 = arith.constant 0.000000e+00 : f32
      %gt3A_377 = vector.broadcast %gt3A_376 : f32 to vector<16xf32>
      %gt3A_378 = arith.cmpf ogt, %get3A_357, %gt3A_377 : vector<16xf32>
      tpu.vector_store_idx %arg7[%iota3A, %min3A_374], %sub3A_375 masked %gt3A_378 {add = true} : memref<16x16xf32, #tpu.memory_space<vmem>>[vector<16xi32>, vector<16xi32>], vector<16xf32>, vector<16xi1>
      %get3A_379 = arith.index_cast %scan3A_213 : i32 to index
      %get3A_380 = arith.constant 112 : index
      %get3A_381 = tpu.vector_load %arg5[%get3A_379, %get3A_380] {strides = array<i32>} : memref<8x128xf32, #tpu.memory_space<vmem>>, vector<16xf32>,
      %get3A_382 = arith.index_cast %scan3A_213 : i32 to index
      %get3A_383 = arith.constant 112 : index
      %get3A_384 = tpu.vector_load %arg6[%get3A_382, %get3A_383] {strides = array<i32>} : memref<8x128xf32, #tpu.memory_space<vmem>>, vector<16xf32>,
      %mul3A_385 = arith.constant 1.500000e+01 : f32
      %mul3A_386 = vector.broadcast %mul3A_385 : f32 to vector<16xf32>
      %mul3A_387 = arith.mulf %get3A_381, %mul3A_386 : vector<16xf32>
      %convert_element_type3A_388 = arith.fptosi %mul3A_387 : vector<16xf32> to vector<16xi32>
      %convert_element_type3A_389 = arith.sitofp %convert_element_type3A_388 : vector<16xi32> to vector<16xf32>
      %eq3A_390 = arith.cmpf oeq, %convert_element_type3A_389, %mul3A_387 : vector<16xf32>
      %convert_element_type3A_391 = arith.extui %eq3A_390 : vector<16xi1> to vector<16xi32>
      %sub3A_392 = arith.subi %convert_element_type3A_388, %convert_element_type3A_391 : vector<16xi32>
      %max3A_393 = arith.constant 0 : i32
      %max3A_394 = vector.broadcast %max3A_393 : i32 to vector<16xi32>
      %max3A_395 = arith.maxsi %sub3A_392, %max3A_394 : vector<16xi32>
      %min3A_396 = arith.constant 14 : i32
      %min3A_397 = vector.broadcast %min3A_396 : i32 to vector<16xi32>
      %min3A_398 = arith.minsi %max3A_395, %min3A_397 : vector<16xi32>
      %sub3A_399 = arith.subf %get3A_381, %get3A_384 : vector<16xf32>
      %gt3A_400 = arith.constant 0.000000e+00 : f32
      %gt3A_401 = vector.broadcast %gt3A_400 : f32 to vector<16xf32>
      %gt3A_402 = arith.cmpf ogt, %get3A_381, %gt3A_401 : vector<16xf32>
      tpu.vector_store_idx %arg7[%iota3A, %min3A_398], %sub3A_399 masked %gt3A_402 {add = true} : memref<16x16xf32, #tpu.memory_space<vmem>>[vector<16xi32>, vector<16xi32>], vector<16xf32>, vector<16xi1>
    }
    %scan3A_85 = arith.constant 8 : i32
    %get3A = arith.constant 0 : i32
    %get3A_86 = arith.index_cast %get3A : i32 to index
    %get3A_87 = arith.constant 0 : index
    %get3A_88 = tpu.vector_load %arg7[%get3A_86, %get3A_87] {strides = array<i32>} : memref<16x16xf32, #tpu.memory_space<vmem>>, vector<16xf32>,
    %broadcast_in_dim3A_89 = arith.constant 0.000000e+00 : f32
    %broadcast_in_dim3A_90 = vector.broadcast %broadcast_in_dim3A_89 : f32 to vector<16xf32>
    %get3A_91 = arith.constant 1 : i32
    %get3A_92 = arith.index_cast %get3A_91 : i32 to index
    %get3A_93 = arith.constant 0 : index
    %get3A_94 = tpu.vector_load %arg7[%get3A_92, %get3A_93] {strides = array<i32>} : memref<16x16xf32, #tpu.memory_space<vmem>>, vector<16xf32>,
    %sub3A = arith.subf %get3A_94, %broadcast_in_dim3A_90 : vector<16xf32>
    %add3A = arith.addf %get3A_88, %sub3A : vector<16xf32>
    %sub3A_95 = arith.subf %add3A, %get3A_88 : vector<16xf32>
    %sub3A_96 = arith.subf %sub3A_95, %sub3A : vector<16xf32>
    %get3A_97 = arith.constant 2 : i32
    %get3A_98 = arith.index_cast %get3A_97 : i32 to index
    %get3A_99 = arith.constant 0 : index
    %get3A_100 = tpu.vector_load %arg7[%get3A_98, %get3A_99] {strides = array<i32>} : memref<16x16xf32, #tpu.memory_space<vmem>>, vector<16xf32>,
    %sub3A_101 = arith.subf %get3A_100, %sub3A_96 : vector<16xf32>
    %add3A_102 = arith.addf %add3A, %sub3A_101 : vector<16xf32>
    %sub3A_103 = arith.subf %add3A_102, %add3A : vector<16xf32>
    %sub3A_104 = arith.subf %sub3A_103, %sub3A_101 : vector<16xf32>
    %get3A_105 = arith.constant 3 : i32
    %get3A_106 = arith.index_cast %get3A_105 : i32 to index
    %get3A_107 = arith.constant 0 : index
    %get3A_108 = tpu.vector_load %arg7[%get3A_106, %get3A_107] {strides = array<i32>} : memref<16x16xf32, #tpu.memory_space<vmem>>, vector<16xf32>,
    %sub3A_109 = arith.subf %get3A_108, %sub3A_104 : vector<16xf32>
    %add3A_110 = arith.addf %add3A_102, %sub3A_109 : vector<16xf32>
    %sub3A_111 = arith.subf %add3A_110, %add3A_102 : vector<16xf32>
    %sub3A_112 = arith.subf %sub3A_111, %sub3A_109 : vector<16xf32>
    %get3A_113 = arith.constant 4 : i32
    %get3A_114 = arith.index_cast %get3A_113 : i32 to index
    %get3A_115 = arith.constant 0 : index
    %get3A_116 = tpu.vector_load %arg7[%get3A_114, %get3A_115] {strides = array<i32>} : memref<16x16xf32, #tpu.memory_space<vmem>>, vector<16xf32>,
    %sub3A_117 = arith.subf %get3A_116, %sub3A_112 : vector<16xf32>
    %add3A_118 = arith.addf %add3A_110, %sub3A_117 : vector<16xf32>
    %sub3A_119 = arith.subf %add3A_118, %add3A_110 : vector<16xf32>
    %sub3A_120 = arith.subf %sub3A_119, %sub3A_117 : vector<16xf32>
    %get3A_121 = arith.constant 5 : i32
    %get3A_122 = arith.index_cast %get3A_121 : i32 to index
    %get3A_123 = arith.constant 0 : index
    %get3A_124 = tpu.vector_load %arg7[%get3A_122, %get3A_123] {strides = array<i32>} : memref<16x16xf32, #tpu.memory_space<vmem>>, vector<16xf32>,
    %sub3A_125 = arith.subf %get3A_124, %sub3A_120 : vector<16xf32>
    %add3A_126 = arith.addf %add3A_118, %sub3A_125 : vector<16xf32>
    %sub3A_127 = arith.subf %add3A_126, %add3A_118 : vector<16xf32>
    %sub3A_128 = arith.subf %sub3A_127, %sub3A_125 : vector<16xf32>
    %get3A_129 = arith.constant 6 : i32
    %get3A_130 = arith.index_cast %get3A_129 : i32 to index
    %get3A_131 = arith.constant 0 : index
    %get3A_132 = tpu.vector_load %arg7[%get3A_130, %get3A_131] {strides = array<i32>} : memref<16x16xf32, #tpu.memory_space<vmem>>, vector<16xf32>,
    %sub3A_133 = arith.subf %get3A_132, %sub3A_128 : vector<16xf32>
    %add3A_134 = arith.addf %add3A_126, %sub3A_133 : vector<16xf32>
    %sub3A_135 = arith.subf %add3A_134, %add3A_126 : vector<16xf32>
    %sub3A_136 = arith.subf %sub3A_135, %sub3A_133 : vector<16xf32>
    %get3A_137 = arith.constant 7 : i32
    %get3A_138 = arith.index_cast %get3A_137 : i32 to index
    %get3A_139 = arith.constant 0 : index
    %get3A_140 = tpu.vector_load %arg7[%get3A_138, %get3A_139] {strides = array<i32>} : memref<16x16xf32, #tpu.memory_space<vmem>>, vector<16xf32>,
    %sub3A_141 = arith.subf %get3A_140, %sub3A_136 : vector<16xf32>
    %add3A_142 = arith.addf %add3A_134, %sub3A_141 : vector<16xf32>
    %sub3A_143 = arith.subf %add3A_142, %add3A_134 : vector<16xf32>
    %sub3A_144 = arith.subf %sub3A_143, %sub3A_141 : vector<16xf32>
    %get3A_145 = arith.constant 8 : i32
    %get3A_146 = arith.index_cast %get3A_145 : i32 to index
    %get3A_147 = arith.constant 0 : index
    %get3A_148 = tpu.vector_load %arg7[%get3A_146, %get3A_147] {strides = array<i32>} : memref<16x16xf32, #tpu.memory_space<vmem>>, vector<16xf32>,
    %sub3A_149 = arith.subf %get3A_148, %sub3A_144 : vector<16xf32>
    %add3A_150 = arith.addf %add3A_142, %sub3A_149 : vector<16xf32>
    %sub3A_151 = arith.subf %add3A_150, %add3A_142 : vector<16xf32>
    %sub3A_152 = arith.subf %sub3A_151, %sub3A_149 : vector<16xf32>
    %get3A_153 = arith.constant 9 : i32
    %get3A_154 = arith.index_cast %get3A_153 : i32 to index
    %get3A_155 = arith.constant 0 : index
    %get3A_156 = tpu.vector_load %arg7[%get3A_154, %get3A_155] {strides = array<i32>} : memref<16x16xf32, #tpu.memory_space<vmem>>, vector<16xf32>,
    %sub3A_157 = arith.subf %get3A_156, %sub3A_152 : vector<16xf32>
    %add3A_158 = arith.addf %add3A_150, %sub3A_157 : vector<16xf32>
    %sub3A_159 = arith.subf %add3A_158, %add3A_150 : vector<16xf32>
    %sub3A_160 = arith.subf %sub3A_159, %sub3A_157 : vector<16xf32>
    %get3A_161 = arith.constant 10 : i32
    %get3A_162 = arith.index_cast %get3A_161 : i32 to index
    %get3A_163 = arith.constant 0 : index
    %get3A_164 = tpu.vector_load %arg7[%get3A_162, %get3A_163] {strides = array<i32>} : memref<16x16xf32, #tpu.memory_space<vmem>>, vector<16xf32>,
    %sub3A_165 = arith.subf %get3A_164, %sub3A_160 : vector<16xf32>
    %add3A_166 = arith.addf %add3A_158, %sub3A_165 : vector<16xf32>
    %sub3A_167 = arith.subf %add3A_166, %add3A_158 : vector<16xf32>
    %sub3A_168 = arith.subf %sub3A_167, %sub3A_165 : vector<16xf32>
    %get3A_169 = arith.constant 11 : i32
    %get3A_170 = arith.index_cast %get3A_169 : i32 to index
    %get3A_171 = arith.constant 0 : index
    %get3A_172 = tpu.vector_load %arg7[%get3A_170, %get3A_171] {strides = array<i32>} : memref<16x16xf32, #tpu.memory_space<vmem>>, vector<16xf32>,
    %sub3A_173 = arith.subf %get3A_172, %sub3A_168 : vector<16xf32>
    %add3A_174 = arith.addf %add3A_166, %sub3A_173 : vector<16xf32>
    %sub3A_175 = arith.subf %add3A_174, %add3A_166 : vector<16xf32>
    %sub3A_176 = arith.subf %sub3A_175, %sub3A_173 : vector<16xf32>
    %get3A_177 = arith.constant 12 : i32
    %get3A_178 = arith.index_cast %get3A_177 : i32 to index
    %get3A_179 = arith.constant 0 : index
    %get3A_180 = tpu.vector_load %arg7[%get3A_178, %get3A_179] {strides = array<i32>} : memref<16x16xf32, #tpu.memory_space<vmem>>, vector<16xf32>,
    %sub3A_181 = arith.subf %get3A_180, %sub3A_176 : vector<16xf32>
    %add3A_182 = arith.addf %add3A_174, %sub3A_181 : vector<16xf32>
    %sub3A_183 = arith.subf %add3A_182, %add3A_174 : vector<16xf32>
    %sub3A_184 = arith.subf %sub3A_183, %sub3A_181 : vector<16xf32>
    %get3A_185 = arith.constant 13 : i32
    %get3A_186 = arith.index_cast %get3A_185 : i32 to index
    %get3A_187 = arith.constant 0 : index
    %get3A_188 = tpu.vector_load %arg7[%get3A_186, %get3A_187] {strides = array<i32>} : memref<16x16xf32, #tpu.memory_space<vmem>>, vector<16xf32>,
    %sub3A_189 = arith.subf %get3A_188, %sub3A_184 : vector<16xf32>
    %add3A_190 = arith.addf %add3A_182, %sub3A_189 : vector<16xf32>
    %sub3A_191 = arith.subf %add3A_190, %add3A_182 : vector<16xf32>
    %sub3A_192 = arith.subf %sub3A_191, %sub3A_189 : vector<16xf32>
    %get3A_193 = arith.constant 14 : i32
    %get3A_194 = arith.index_cast %get3A_193 : i32 to index
    %get3A_195 = arith.constant 0 : index
    %get3A_196 = tpu.vector_load %arg7[%get3A_194, %get3A_195] {strides = array<i32>} : memref<16x16xf32, #tpu.memory_space<vmem>>, vector<16xf32>,
    %sub3A_197 = arith.subf %get3A_196, %sub3A_192 : vector<16xf32>
    %add3A_198 = arith.addf %add3A_190, %sub3A_197 : vector<16xf32>
    %sub3A_199 = arith.subf %add3A_198, %add3A_190 : vector<16xf32>
    %sub3A_200 = arith.subf %sub3A_199, %sub3A_197 : vector<16xf32>
    %get3A_201 = arith.constant 15 : i32
    %get3A_202 = arith.index_cast %get3A_201 : i32 to index
    %get3A_203 = arith.constant 0 : index
    %get3A_204 = tpu.vector_load %arg7[%get3A_202, %get3A_203] {strides = array<i32>} : memref<16x16xf32, #tpu.memory_space<vmem>>, vector<16xf32>,
    %sub3A_205 = arith.subf %get3A_204, %sub3A_200 : vector<16xf32>
    %add3A_206 = arith.addf %add3A_198, %sub3A_205 : vector<16xf32>
    %sub3A_207 = arith.subf %add3A_206, %add3A_198 : vector<16xf32>
    %sub3A_208 = arith.subf %sub3A_207, %sub3A_205 : vector<16xf32>
    %swap3A_209 = arith.constant 0 : index
    %swap3A_210 = tpu.vector_load %arg10[%swap3A_209] {strides = array<i32>} : memref<16xf32, #tpu.memory_space<vmem>>, vector<16xf32>,
    tpu.vector_store %arg10[%swap3A_209], %add3A_206 {strides = array<i32>} : memref<16xf32, #tpu.memory_space<vmem>>, vector<16xf32>,
    "tpu.region"() ({
      %run_scoped3A = tpu.sem_alloc : memref<!tpu.dma_semaphore, #tpu.memory_space<semaphore_mem>>
      %dma_start3A_213 = arith.constant 0 : i32
      %dma_start3A_214 = tpu.memref_slice %arg8[%arg1, %dma_start3A_213] : memref<16x16xf32, #tpu.memory_space<vmem_shared>> -> memref<1x16xf32, #tpu.memory_space<vmem_shared>>
      %dma_start3A_215 = tpu.memref_squeeze %dma_start3A_214 : memref<1x16xf32, #tpu.memory_space<vmem_shared>> -> memref<16xf32, #tpu.memory_space<vmem_shared>>
      %dma_start3A_216 = arith.constant 0 : i32
      %dma_start3A_217 = tpu.memref_slice %arg8[%arg1, %dma_start3A_216] : memref<16x16xf32, #tpu.memory_space<vmem_shared>> -> memref<1x16xf32, #tpu.memory_space<vmem_shared>>
      %dma_start3A_218 = tpu.memref_squeeze %dma_start3A_217 : memref<1x16xf32, #tpu.memory_space<vmem_shared>> -> memref<16xf32, #tpu.memory_space<vmem_shared>>
      tpu.enqueue_dma source(%arg10 : memref<16xf32, #tpu.memory_space<vmem>>) target(%dma_start3A_218 : memref<16xf32, #tpu.memory_space<vmem_shared>>) target_semaphore(%run_scoped3A : memref<!tpu.dma_semaphore, #tpu.memory_space<semaphore_mem>>)
      %dma_wait3A_219 = arith.constant 0 : i32
      %dma_wait3A_220 = tpu.memref_slice %arg8[%arg1, %dma_wait3A_219] : memref<16x16xf32, #tpu.memory_space<vmem_shared>> -> memref<1x16xf32, #tpu.memory_space<vmem_shared>>
      %dma_wait3A_221 = tpu.memref_squeeze %dma_wait3A_220 : memref<1x16xf32, #tpu.memory_space<vmem_shared>> -> memref<16xf32, #tpu.memory_space<vmem_shared>>
      %dma_wait3A_222 = arith.constant 0 : i32
      %dma_wait3A_223 = tpu.memref_slice %arg8[%arg1, %dma_wait3A_222] : memref<16x16xf32, #tpu.memory_space<vmem_shared>> -> memref<1x16xf32, #tpu.memory_space<vmem_shared>>
      %dma_wait3A_224 = tpu.memref_squeeze %dma_wait3A_223 : memref<1x16xf32, #tpu.memory_space<vmem_shared>> -> memref<16xf32, #tpu.memory_space<vmem_shared>>
      tpu.wait_dma2 semaphore(%run_scoped3A : memref<!tpu.dma_semaphore, #tpu.memory_space<semaphore_mem>>) src(%arg10 : memref<16xf32, #tpu.memory_space<vmem>>) dst(%dma_wait3A_224 : memref<16xf32, #tpu.memory_space<vmem_shared>>)
      tpu.yield
    }) : () -> ()
    %barrier3A = arith.constant 0 : index
    tpu.barrier barrier_id(%barrier3A)
    %eq3A = arith.constant 0 : i32
    %eq3A_211 = arith.cmpi eq, %arg1, %eq3A : i32
    %convert_element_type3A = arith.extui %eq3A_211 : i1 to i32
    %cond3A = arith.constant 0 : i32
    %cond3A_212 = arith.cmpi ne, %convert_element_type3A, %cond3A : i32
    scf.if %cond3A_212 {
      "tpu.region"() ({
        %run_scoped3A = tpu.sem_alloc : memref<!tpu.dma_semaphore, #tpu.memory_space<semaphore_mem>>
        tpu.enqueue_dma source(%arg8 : memref<16x16xf32, #tpu.memory_space<vmem_shared>>) target(%arg9 : memref<16x16xf32, #tpu.memory_space<vmem>>) target_semaphore(%run_scoped3A : memref<!tpu.dma_semaphore, #tpu.memory_space<semaphore_mem>>)
        tpu.wait_dma2 semaphore(%run_scoped3A : memref<!tpu.dma_semaphore, #tpu.memory_space<semaphore_mem>>) src(%arg8 : memref<16x16xf32, #tpu.memory_space<vmem_shared>>) dst(%arg9 : memref<16x16xf32, #tpu.memory_space<vmem>>)
        tpu.yield
      }) : () -> ()
      %get3A_213 = arith.constant 0 : i32
      %get3A_214 = arith.index_cast %get3A_213 : i32 to index
      %get3A_215 = arith.constant 0 : index
      %get3A_216 = tpu.vector_load %arg9[%get3A_214, %get3A_215] {strides = array<i32>} : memref<16x16xf32, #tpu.memory_space<vmem>>, vector<16xf32>,
      %broadcast_in_dim3A_217 = arith.constant 0.000000e+00 : f32
      %broadcast_in_dim3A_218 = vector.broadcast %broadcast_in_dim3A_217 : f32 to vector<16xf32>
      %get3A_219 = arith.constant 1 : i32
      %get3A_220 = arith.index_cast %get3A_219 : i32 to index
      %get3A_221 = arith.constant 0 : index
      %get3A_222 = tpu.vector_load %arg9[%get3A_220, %get3A_221] {strides = array<i32>} : memref<16x16xf32, #tpu.memory_space<vmem>>, vector<16xf32>,
      %sub3A_223 = arith.subf %get3A_222, %broadcast_in_dim3A_218 : vector<16xf32>
      %add3A_224 = arith.addf %get3A_216, %sub3A_223 : vector<16xf32>
      %sub3A_225 = arith.subf %add3A_224, %get3A_216 : vector<16xf32>
      %sub3A_226 = arith.subf %sub3A_225, %sub3A_223 : vector<16xf32>
      %get3A_227 = arith.constant 2 : i32
      %get3A_228 = arith.index_cast %get3A_227 : i32 to index
      %get3A_229 = arith.constant 0 : index
      %get3A_230 = tpu.vector_load %arg9[%get3A_228, %get3A_229] {strides = array<i32>} : memref<16x16xf32, #tpu.memory_space<vmem>>, vector<16xf32>,
      %sub3A_231 = arith.subf %get3A_230, %sub3A_226 : vector<16xf32>
      %add3A_232 = arith.addf %add3A_224, %sub3A_231 : vector<16xf32>
      %sub3A_233 = arith.subf %add3A_232, %add3A_224 : vector<16xf32>
      %sub3A_234 = arith.subf %sub3A_233, %sub3A_231 : vector<16xf32>
      %get3A_235 = arith.constant 3 : i32
      %get3A_236 = arith.index_cast %get3A_235 : i32 to index
      %get3A_237 = arith.constant 0 : index
      %get3A_238 = tpu.vector_load %arg9[%get3A_236, %get3A_237] {strides = array<i32>} : memref<16x16xf32, #tpu.memory_space<vmem>>, vector<16xf32>,
      %sub3A_239 = arith.subf %get3A_238, %sub3A_234 : vector<16xf32>
      %add3A_240 = arith.addf %add3A_232, %sub3A_239 : vector<16xf32>
      %sub3A_241 = arith.subf %add3A_240, %add3A_232 : vector<16xf32>
      %sub3A_242 = arith.subf %sub3A_241, %sub3A_239 : vector<16xf32>
      %get3A_243 = arith.constant 4 : i32
      %get3A_244 = arith.index_cast %get3A_243 : i32 to index
      %get3A_245 = arith.constant 0 : index
      %get3A_246 = tpu.vector_load %arg9[%get3A_244, %get3A_245] {strides = array<i32>} : memref<16x16xf32, #tpu.memory_space<vmem>>, vector<16xf32>,
      %sub3A_247 = arith.subf %get3A_246, %sub3A_242 : vector<16xf32>
      %add3A_248 = arith.addf %add3A_240, %sub3A_247 : vector<16xf32>
      %sub3A_249 = arith.subf %add3A_248, %add3A_240 : vector<16xf32>
      %sub3A_250 = arith.subf %sub3A_249, %sub3A_247 : vector<16xf32>
      %get3A_251 = arith.constant 5 : i32
      %get3A_252 = arith.index_cast %get3A_251 : i32 to index
      %get3A_253 = arith.constant 0 : index
      %get3A_254 = tpu.vector_load %arg9[%get3A_252, %get3A_253] {strides = array<i32>} : memref<16x16xf32, #tpu.memory_space<vmem>>, vector<16xf32>,
      %sub3A_255 = arith.subf %get3A_254, %sub3A_250 : vector<16xf32>
      %add3A_256 = arith.addf %add3A_248, %sub3A_255 : vector<16xf32>
      %sub3A_257 = arith.subf %add3A_256, %add3A_248 : vector<16xf32>
      %sub3A_258 = arith.subf %sub3A_257, %sub3A_255 : vector<16xf32>
      %get3A_259 = arith.constant 6 : i32
      %get3A_260 = arith.index_cast %get3A_259 : i32 to index
      %get3A_261 = arith.constant 0 : index
      %get3A_262 = tpu.vector_load %arg9[%get3A_260, %get3A_261] {strides = array<i32>} : memref<16x16xf32, #tpu.memory_space<vmem>>, vector<16xf32>,
      %sub3A_263 = arith.subf %get3A_262, %sub3A_258 : vector<16xf32>
      %add3A_264 = arith.addf %add3A_256, %sub3A_263 : vector<16xf32>
      %sub3A_265 = arith.subf %add3A_264, %add3A_256 : vector<16xf32>
      %sub3A_266 = arith.subf %sub3A_265, %sub3A_263 : vector<16xf32>
      %get3A_267 = arith.constant 7 : i32
      %get3A_268 = arith.index_cast %get3A_267 : i32 to index
      %get3A_269 = arith.constant 0 : index
      %get3A_270 = tpu.vector_load %arg9[%get3A_268, %get3A_269] {strides = array<i32>} : memref<16x16xf32, #tpu.memory_space<vmem>>, vector<16xf32>,
      %sub3A_271 = arith.subf %get3A_270, %sub3A_266 : vector<16xf32>
      %add3A_272 = arith.addf %add3A_264, %sub3A_271 : vector<16xf32>
      %sub3A_273 = arith.subf %add3A_272, %add3A_264 : vector<16xf32>
      %sub3A_274 = arith.subf %sub3A_273, %sub3A_271 : vector<16xf32>
      %get3A_275 = arith.constant 8 : i32
      %get3A_276 = arith.index_cast %get3A_275 : i32 to index
      %get3A_277 = arith.constant 0 : index
      %get3A_278 = tpu.vector_load %arg9[%get3A_276, %get3A_277] {strides = array<i32>} : memref<16x16xf32, #tpu.memory_space<vmem>>, vector<16xf32>,
      %sub3A_279 = arith.subf %get3A_278, %sub3A_274 : vector<16xf32>
      %add3A_280 = arith.addf %add3A_272, %sub3A_279 : vector<16xf32>
      %sub3A_281 = arith.subf %add3A_280, %add3A_272 : vector<16xf32>
      %sub3A_282 = arith.subf %sub3A_281, %sub3A_279 : vector<16xf32>
      %get3A_283 = arith.constant 9 : i32
      %get3A_284 = arith.index_cast %get3A_283 : i32 to index
      %get3A_285 = arith.constant 0 : index
      %get3A_286 = tpu.vector_load %arg9[%get3A_284, %get3A_285] {strides = array<i32>} : memref<16x16xf32, #tpu.memory_space<vmem>>, vector<16xf32>,
      %sub3A_287 = arith.subf %get3A_286, %sub3A_282 : vector<16xf32>
      %add3A_288 = arith.addf %add3A_280, %sub3A_287 : vector<16xf32>
      %sub3A_289 = arith.subf %add3A_288, %add3A_280 : vector<16xf32>
      %sub3A_290 = arith.subf %sub3A_289, %sub3A_287 : vector<16xf32>
      %get3A_291 = arith.constant 10 : i32
      %get3A_292 = arith.index_cast %get3A_291 : i32 to index
      %get3A_293 = arith.constant 0 : index
      %get3A_294 = tpu.vector_load %arg9[%get3A_292, %get3A_293] {strides = array<i32>} : memref<16x16xf32, #tpu.memory_space<vmem>>, vector<16xf32>,
      %sub3A_295 = arith.subf %get3A_294, %sub3A_290 : vector<16xf32>
      %add3A_296 = arith.addf %add3A_288, %sub3A_295 : vector<16xf32>
      %sub3A_297 = arith.subf %add3A_296, %add3A_288 : vector<16xf32>
      %sub3A_298 = arith.subf %sub3A_297, %sub3A_295 : vector<16xf32>
      %get3A_299 = arith.constant 11 : i32
      %get3A_300 = arith.index_cast %get3A_299 : i32 to index
      %get3A_301 = arith.constant 0 : index
      %get3A_302 = tpu.vector_load %arg9[%get3A_300, %get3A_301] {strides = array<i32>} : memref<16x16xf32, #tpu.memory_space<vmem>>, vector<16xf32>,
      %sub3A_303 = arith.subf %get3A_302, %sub3A_298 : vector<16xf32>
      %add3A_304 = arith.addf %add3A_296, %sub3A_303 : vector<16xf32>
      %sub3A_305 = arith.subf %add3A_304, %add3A_296 : vector<16xf32>
      %sub3A_306 = arith.subf %sub3A_305, %sub3A_303 : vector<16xf32>
      %get3A_307 = arith.constant 12 : i32
      %get3A_308 = arith.index_cast %get3A_307 : i32 to index
      %get3A_309 = arith.constant 0 : index
      %get3A_310 = tpu.vector_load %arg9[%get3A_308, %get3A_309] {strides = array<i32>} : memref<16x16xf32, #tpu.memory_space<vmem>>, vector<16xf32>,
      %sub3A_311 = arith.subf %get3A_310, %sub3A_306 : vector<16xf32>
      %add3A_312 = arith.addf %add3A_304, %sub3A_311 : vector<16xf32>
      %sub3A_313 = arith.subf %add3A_312, %add3A_304 : vector<16xf32>
      %sub3A_314 = arith.subf %sub3A_313, %sub3A_311 : vector<16xf32>
      %get3A_315 = arith.constant 13 : i32
      %get3A_316 = arith.index_cast %get3A_315 : i32 to index
      %get3A_317 = arith.constant 0 : index
      %get3A_318 = tpu.vector_load %arg9[%get3A_316, %get3A_317] {strides = array<i32>} : memref<16x16xf32, #tpu.memory_space<vmem>>, vector<16xf32>,
      %sub3A_319 = arith.subf %get3A_318, %sub3A_314 : vector<16xf32>
      %add3A_320 = arith.addf %add3A_312, %sub3A_319 : vector<16xf32>
      %sub3A_321 = arith.subf %add3A_320, %add3A_312 : vector<16xf32>
      %sub3A_322 = arith.subf %sub3A_321, %sub3A_319 : vector<16xf32>
      %get3A_323 = arith.constant 14 : i32
      %get3A_324 = arith.index_cast %get3A_323 : i32 to index
      %get3A_325 = arith.constant 0 : index
      %get3A_326 = tpu.vector_load %arg9[%get3A_324, %get3A_325] {strides = array<i32>} : memref<16x16xf32, #tpu.memory_space<vmem>>, vector<16xf32>,
      %sub3A_327 = arith.subf %get3A_326, %sub3A_322 : vector<16xf32>
      %add3A_328 = arith.addf %add3A_320, %sub3A_327 : vector<16xf32>
      %sub3A_329 = arith.subf %add3A_328, %add3A_320 : vector<16xf32>
      %sub3A_330 = arith.subf %sub3A_329, %sub3A_327 : vector<16xf32>
      %get3A_331 = arith.constant 15 : i32
      %get3A_332 = arith.index_cast %get3A_331 : i32 to index
      %get3A_333 = arith.constant 0 : index
      %get3A_334 = tpu.vector_load %arg9[%get3A_332, %get3A_333] {strides = array<i32>} : memref<16x16xf32, #tpu.memory_space<vmem>>, vector<16xf32>,
      %sub3A_335 = arith.subf %get3A_334, %sub3A_330 : vector<16xf32>
      %add3A_336 = arith.addf %add3A_328, %sub3A_335 : vector<16xf32>
      %sub3A_337 = arith.subf %add3A_336, %add3A_328 : vector<16xf32>
      %sub3A_338 = arith.subf %sub3A_337, %sub3A_335 : vector<16xf32>
      %abs3A = math.absf %add3A_336 : vector<16xf32>
      %reduce_sum3A = arith.constant true
      %reduce_sum3A_339 = vector.broadcast %reduce_sum3A : i1 to vector<16xi1>
      %reduce_sum3A_340 = tpu.scan <sum>, %abs3A masked %reduce_sum3A_339 : vector<16xf32>, vector<16xi1> -> vector<16xf32>
      %reduce_sum3A_341 = vector.extract %reduce_sum3A_340[15] : f32 from vector<16xf32>
      %mul3A_342 = arith.constant 6.10351563E-5 : f32
      %mul3A_343 = arith.mulf %reduce_sum3A_341, %mul3A_342 : f32
      %broadcast_in_dim3A_344 = vector.broadcast %mul3A_343 : f32 to vector<16xf32>
      %swap3A_345 = arith.constant 0 : index
      %swap3A_346 = tpu.vector_load %arg10[%swap3A_345] {strides = array<i32>} : memref<16xf32, #tpu.memory_space<vmem>>, vector<16xf32>,
      tpu.vector_store %arg10[%swap3A_345], %broadcast_in_dim3A_344 {strides = array<i32>} : memref<16xf32, #tpu.memory_space<vmem>>, vector<16xf32>,
      "tpu.region"() ({
        %run_scoped3A = tpu.sem_alloc : memref<!tpu.dma_semaphore, #tpu.memory_space<semaphore_mem>>
        tpu.enqueue_dma source(%arg10 : memref<16xf32, #tpu.memory_space<vmem>>) target(%arg4 : memref<16xf32, #tpu.memory_space<hbm>>) target_semaphore(%run_scoped3A : memref<!tpu.dma_semaphore, #tpu.memory_space<semaphore_mem>>)
        tpu.wait_dma2 semaphore(%run_scoped3A : memref<!tpu.dma_semaphore, #tpu.memory_space<semaphore_mem>>) src(%arg10 : memref<16xf32, #tpu.memory_space<vmem>>) dst(%arg4 : memref<16xf32, #tpu.memory_space<hbm>>)
        tpu.yield
      }) : () -> ()
    } else {
    }
    return
  }
}

module attributes {stable_mosaic.version = 14 : i64} {
  func.func @_tc_body(%arg0: i32, %arg1: memref<1000x2048xf32, #tpu.memory_space<vmem>>, %arg2: memref<16x128xi32, #tpu.memory_space<vmem>>, %arg3: memref<16x128xf32, #tpu.memory_space<vmem>>, %arg4: memref<16x128xf32, #tpu.memory_space<vmem>>) attributes {dimension_semantics = [#tpu.dimension_semantics<arbitrary>], iteration_bounds = array<i64: 8>, scalar_prefetch = 0 : i64, scratch_operands = 0 : i64, tpu.core_type = #tpu.core_type<tc>, window_params = [{transform_indices = @transform_0, window_bounds = array<i64: 1000, 2048>}, {transform_indices = @transform_1, window_bounds = array<i64: 16, 128>}, {transform_indices = @transform_2, window_bounds = array<i64: 16, 128>}, {transform_indices = @transform_3, window_bounds = array<i64: 16, 128>}]} {
    %get3A = arith.constant 0 : index
    %get3A_0 = arith.constant 0 : index
    %get3A_1 = vector.load %arg1[%get3A, %get3A_0] : memref<1000x2048xf32, #tpu.memory_space<vmem>>, vector<1000x2048xf32>
    %reduce_max3A = arith.constant dense<0xFF800000> : vector<2048xf32>
    %reduce_max3A_2 = vector.multi_reduction <maximumf>, %get3A_1, %reduce_max3A [0] : vector<1000x2048xf32> to vector<2048xf32>
    %iota3A = tpu.iota {dimensions = array<i32: 0>} : vector<1000x2048xi32>
    %broadcast_in_dim3A = vector.shape_cast %reduce_max3A_2 : vector<2048xf32> to vector<1x2048xf32>
    %eq3A = vector.broadcast %broadcast_in_dim3A : vector<1x2048xf32> to vector<1000x2048xf32>
    %eq3A_3 = arith.cmpf oeq, %get3A_1, %eq3A : vector<1000x2048xf32>
    %jit3A = arith.constant 1000 : i32
    %broadcast_in_dim3A_4 = vector.broadcast %jit3A : i32 to vector<1000x2048xi32>
    %select_n3A = arith.select %eq3A_3, %iota3A, %broadcast_in_dim3A_4 : vector<1000x2048xi1>, vector<1000x2048xi32>
    %reduce_min3A = arith.constant dense<2147483647> : vector<2048xi32>
    %reduce_min3A_5 = vector.multi_reduction <minsi>, %select_n3A, %reduce_min3A [0] : vector<1000x2048xi32> to vector<2048xi32>
    %reshape3A = vector.shape_cast %reduce_min3A_5 : vector<2048xi32> to vector<16x128xi32>
    %get3A_6 = arith.constant 0 : index
    %get3A_7 = arith.constant 0 : index
    %get3A_8 = vector.load %arg2[%get3A_6, %get3A_7] : memref<16x128xi32, #tpu.memory_space<vmem>>, vector<16x128xi32>
    %eq3A_9 = arith.cmpi eq, %reshape3A, %get3A_8 : vector<16x128xi32>
    %convert_element_type3A = arith.extui %eq3A_9 : vector<16x128xi1> to vector<16x128xi32>
    %convert_element_type3A_10 = arith.sitofp %convert_element_type3A : vector<16x128xi32> to vector<16x128xf32>
    %reshape3A_11 = vector.shape_cast %reduce_max3A_2 : vector<2048xf32> to vector<16x128xf32>
    %swap3A = arith.constant 0 : index
    %swap3A_12 = arith.constant 0 : index
    %swap3A_13 = vector.load %arg3[%swap3A, %swap3A_12] : memref<16x128xf32, #tpu.memory_space<vmem>>, vector<16x128xf32>
    tpu.vector_store %arg3[%swap3A, %swap3A_12], %reshape3A_11 {strides = array<i32>} : memref<16x128xf32, #tpu.memory_space<vmem>>, vector<16x128xf32>,
    %swap3A_14 = arith.constant 0 : index
    %swap3A_15 = arith.constant 0 : index
    %swap3A_16 = vector.load %arg4[%swap3A_14, %swap3A_15] : memref<16x128xf32, #tpu.memory_space<vmem>>, vector<16x128xf32>
    tpu.vector_store %arg4[%swap3A_14, %swap3A_15], %convert_element_type3A_10 {strides = array<i32>} : memref<16x128xf32, #tpu.memory_space<vmem>>, vector<16x128xf32>,
    return
  }
  func.func @transform_0(%arg0: i32) -> (i32, i32) {
    %c0_i32 = arith.constant 0 : i32
    %c0_i32_0 = arith.constant 0 : i32
    return %c0_i32, %arg0 : i32, i32
  }
  func.func @transform_1(%arg0: i32) -> (i32, i32) {
    %c0_i32 = arith.constant 0 : i32
    %c0_i32_0 = arith.constant 0 : i32
    return %arg0, %c0_i32 : i32, i32
  }
  func.func @transform_2(%arg0: i32) -> (i32, i32) {
    %c0_i32 = arith.constant 0 : i32
    %c0_i32_0 = arith.constant 0 : i32
    return %arg0, %c0_i32 : i32, i32
  }
  func.func @transform_3(%arg0: i32) -> (i32, i32) {
    %c0_i32 = arith.constant 0 : i32
    %c0_i32_0 = arith.constant 0 : i32
    return %arg0, %c0_i32 : i32, i32
  }
}

</mosaic_0001>

<sc_bundles>
// kernel: kernel.4.cloned.1.call-start
scs
__scs_entry_jumppad:
0x0: {  	(pc) =	sbr.rel $0x88, $3  }
0x1: {  	(tag) =	ssettag $0x0;
	lr =	simm.s32 $0x1  }
0x2: {  	[smem:$0x3F9F] =	sst lr;
	_ =	strace $0xD0000000  }
0x3: {  	_ = 	snop  }
0x4: {  	_ = 	snop  }
0x5: {  	_ = 	snop  }
0x6: {  	_ = 	snop  }
0x7: {  	_ = 	snop  }
__scs_overlays_trampoline_lowered:
0x8: {  	[smem:$0x3FAE] =	sst s0  }
0x9: {  	[smem:$0x3FAF] =	sst s1  }
0xa: {  	[smem:$0x3FB0] =	sst s2  }
0xb: {  	[smem:$0x3FB1] =	sst s3  }
0xc: {  	[smem:$0x3FB2] =	sst s4  }
0xd: {  	[smem:$0x3FB3] =	sst s5  }
0xe: {  	[smem:$0x3FB4] =	sst s6  }
0xf: {  	[smem:$0x3FB5] =	sst s7  }
0x10: {  	[smem:$0x3FB6] =	sst s8  }
0x11: {  	[smem:$0x3FB7] =	sst s9;
	s0 =	simm.s32 @!p0 $0x0  }
0x12: {  	s1 =	sld [smem:$0x3F9D];
	s0 =	simm.s32 @p0 $0x1  }
0x13: {  	[smem:$0x3FB8] =	sst s0;
	s0 =	simm.s32 @!p1 $0x0  }
0x14: {  	s2 =	sld [smem:$0x3F9C];
	s0 =	simm.s32 @p1 $0x1  }
0x15: {  	[smem:$0x3FB9] =	sst s0;
	s0 =	simm.s32 @!p2 $0x0  }
0x16: {  	s3 =	sld [smem:$0x3FDB];
	s0 =	simm.s32 @p2 $0x1  }
0x17: {  	s4 =	simm.s32 $0x1BF5;
	[smem:$0x3FBB] =	sst s0  }
0x18: {  	s0 =	sld [smem:$0x3F9E];
	_ =	swait.ge [sflag:s4], $0x0  }
0x19: {  	s7 =	sld [smem:$0x3F9F]  }
0x1a: {  	s8 =	sadd.s32 $0xFFFFE003, lr  }
0x1b: {  	s9 =	sadd.s32 $0xFFFFFEF7, lr;
	s5 =	simm.s32 $0xFFFFFFFF;
	p2 =	slt.u32 s8, $0xFFFFF086  }
0x1c: {  	p1 =	slt.u32 s9, $0xF7A;
	s5 =	simm.s32 @!p2 $0x0  }
0x1d: {  	s5 =	simm.s32 @p1 $0x1;
	p0 =	seq.s32 s7, s2  }
0x1e: {  	s7 =	smul.u32 @!p0 $0xF7A, s2;
	p2 =	seq.s32 @!p0 s5, $0x0  }
0x1f: {  	s9 =	smul.u32 $0xF7A, s1;
	s8 =	simm.s32 @!p0 $0x1BF5;
	p2 =	por !p2, p0  }
0x20: {  	[sflag:s8] =	ssyncset.s32 @!p0 $0xFFFFF086;
	s6 =	sadd.s32 @!p0 s3, s7;
	s7 =	simm.s32 @!p0 $0x108  }
0x21: {  	s3 =	sadd.s32 s3, s9;
	s6 =	sadd.s32 @!p0 $0x88, s6;
	s7 =	simm.s32 @p2 $0x1082  }
0x22: {  	[simem:s7], [sflag:s8] =	dma.local @!p0 [hbm:s6], $0xF7A  }
0x23: {  	s9 =	sor.u32 $0xD0000000, s2;
	s6 =	simm.s32 $0x108;
	_ =	swait.ge @!p0 [sflag:s8], $0x0  }
0x24: {  	s3 =	sadd.s32 $0x88, s3;
	s6 =	simm.s32 @!p1 $0x1082;
	[sflag:s4] =	ssyncset.s32 $0xFFFFF086  }
0x25: {  	[simem:s6], [sflag:s4] =	dma.local [hbm:s3], $0xF7A  }
0x26: {  	[smem:$0x3F9F] =	sst s1;
	(tag) =	ssettag s2;
	_ =	strace s9  }
0x27: {  	s1 =	sld [smem:$0x3FAF]  }
0x28: {  	s2 =	sld [smem:$0x3FB0]  }
0x29: {  	s4 =	sld [smem:$0x3FB2]  }
0x2a: {  	p0 =	seq.s32 s5, $0x0;
	s5 =	sld [smem:$0x3FB3]  }
0x2b: {  	s6 =	sld [smem:$0x3FB4]  }
0x2c: {  	s7 =	sld [smem:$0x3FB5]  }
0x2d: {  	s3 =	simm.s32 $0x108;
	s8 =	sld [smem:$0x3FB6]  }
0x2e: {  	s3 =	simm.s32 @!p0 $0x1082;
	s9 =	sld [smem:$0x3FB7]  }
0x2f: {  	lr =	sadd.s32 s0, s3;
	s0 =	sld [smem:$0x3FAE]  }
0x30: {  	s3 =	sld [smem:$0x3FB1]  }
0x31: {  	[smem:$0x3FBA] =	sst s10  }
0x32: {  	s10 =	sld [smem:$0x3FB8];
	_ =	sdelay $0x3  }
0x33: {  	p0 =	seq.s32 s10, $0x1;
	s10 =	sld [smem:$0x3FBA];
	_ =	sdelay $0x3  }
0x34: {  	[smem:$0x3FBA] =	sst s10  }
0x35: {  	s10 =	sld [smem:$0x3FB9];
	_ =	sdelay $0x3  }
0x36: {  	p1 =	seq.s32 s10, $0x1;
	s10 =	sld [smem:$0x3FBA];
	_ =	sdelay $0x3  }
0x37: {  	[smem:$0x3FBA] =	sst s10  }
0x38: {  	s10 =	sld [smem:$0x3FBB]  }
0x39: {  	_ = 	snop;
	(pc) =	sbr.ind lr, $3  }
0x3a: {  	_ = 	snop  }
0x3b: {  	_ = 	snop  }
0x3c: {  	p2 =	seq.s32 s10, $0x1;
	s10 =	sld [smem:$0x3FBA]  }
0x3d: {  	_ =	shalt  }
0x3e: {  	_ =	shalt  }
0x3f: {  	_ =	shalt  }
0x40: {  	_ =	shalt  }
0x41: {  	_ =	shalt  }
0x42: {  	_ =	shalt  }
0x43: {  	_ =	shalt  }
0x44: {  	_ =	shalt  }
0x45: {  	_ =	shalt  }
0x46: {  	_ =	shalt  }
0x47: {  	_ =	shalt  }
0x48: {  	_ =	shalt  }
0x49: {  	_ =	shalt  }
0x4a: {  	_ =	shalt  }
0x4b: {  	_ =	shalt  }
0x4c: {  	_ =	shalt  }
0x4d: {  	_ =	shalt  }
0x4e: {  	_ =	shalt  }
0x4f: {  	_ =	shalt  }
0x50: {  	_ =	shalt  }
0x51: {  	_ =	shalt  }
0x52: {  	_ =	shalt  }
0x53: {  	_ =	shalt  }
0x54: {  	_ =	shalt  }
0x55: {  	_ =	shalt  }
0x56: {  	_ =	shalt  }
0x57: {  	_ =	shalt  }
0x58: {  	_ =	shalt  }
0x59: {  	_ =	shalt  }
0x5a: {  	_ =	shalt  }
0x5b: {  	_ =	shalt  }
0x5c: {  	_ =	shalt  }
0x5d: {  	_ =	shalt  }
0x5e: {  	_ =	shalt  }
0x5f: {  	_ =	shalt  }
0x60: {  	_ =	shalt  }
0x61: {  	_ =	shalt  }
0x62: {  	_ =	shalt  }
0x63: {  	_ =	shalt  }
0x64: {  	_ =	shalt  }
0x65: {  	_ =	shalt  }
0x66: {  	_ =	shalt  }
0x67: {  	_ =	shalt  }
0x68: {  	_ =	shalt  }
0x69: {  	_ =	shalt  }
0x6a: {  	_ =	shalt  }
0x6b: {  	_ =	shalt  }
0x6c: {  	_ =	shalt  }
0x6d: {  	_ =	shalt  }
0x6e: {  	_ =	shalt  }
0x6f: {  	_ =	shalt  }
0x70: {  	_ =	shalt  }
0x71: {  	_ =	shalt  }
0x72: {  	_ =	shalt  }
0x73: {  	_ =	shalt  }
0x74: {  	_ =	shalt  }
0x75: {  	_ =	shalt  }
0x76: {  	_ =	shalt  }
0x77: {  	_ =	shalt  }
0x78: {  	_ =	shalt  }
0x79: {  	_ =	shalt  }
0x7a: {  	_ =	shalt  }
0x7b: {  	_ =	shalt  }
0x7c: {  	_ =	shalt  }
0x7d: {  	_ =	shalt  }
0x7e: {  	_ =	shalt  }
0x7f: {  	_ =	shalt  }
0x80: {  	_ =	shalt  }
0x81: {  	_ =	shalt  }
0x82: {  	_ =	shalt  }
0x83: {  	_ =	shalt  }
0x84: {  	_ =	shalt  }
0x85: {  	_ =	shalt  }
0x86: {  	_ =	shalt  }
0x87: {  	_ =	shalt  }
.Lfunc_end0:
.L_simem_size_0:
called_computation_lowered:
.L_overlay_start_0:
0x88: {  	s0 =	sld [smem:$0x3FD9]  }
0x89: {  	s1 =	sld [smem:$0x3FFE];
	_ =	sdelay $0x3  }
0x8a: {  	s0 =	sadd.s32 s1, s0  }
0x8b: {  	[smem:$0x3FC6] =	sst s0  }
0x8c: {  	_ = 	snop  }
0x8d: {  	s0 =	sld [smem:$0x3FD0];
	(tm) =	ssettm $0x1  }
0x8e: {  	s16 =	sld [smem:$0x3FFB];
	_ =	sdelay $0x3  }
0x8f: {  	_ =	strace s16  }
0x90: {  	s1 =	sld [smem:$0x3FFC];
	_ =	sdelay $0x3  }
0x91: {  	_ =	strace s1  }
0x92: {  	s1 =	sld [smem:$0x3FFD];
	_ =	sdelay $0x3  }
0x93: {  	_ =	strace s1  }
0x94: {  	_ =	strace $0x8FFFFFFF  }
0x95: {  	s17 =	sld [smem:$0x3FDB];
	_ =	sdelay $0x1  }
0x96: {  	s2 =	simm.s32 $_scs_section_size  }
0x97: {  	s3 =	simm.s32 $_size__tile_overlayer_lowered;
	s4 =	simm.s32 $_tile_overlayer_lowered  }
0x98: {  	s20 =	simm.s32 $0x1BFF;
	s19 =	sshll.u32 s4, $0x1;
	s1 =	sadd.s32 s2, s17  }
0x99: {  	s5 =	simm.s32 $0x0;
	s18 =	sshll.u32 s3, $0x1;
	s3 =	sadd.s32 s19, s1  }
0x9a: {  	[timem:s5], [sflag:s20] =	dma.local [hbm:s3], s18  }
0x9b: {  	_ =	swait.ge [sflag:s20], s18  }
0x9c: {  	s2 =	ssub.s32 $0x0, s18;
	[sflag:s20] =	ssyncset.done $0x0  }
0x9d: {  	[sflag:s20] =	ssyncadd.s32 s2;
	_ =	sdelay $0x1  }
0x9e: {  	s21 =	simm.s32 $0x1B8B  }
0x9f: {  	_ =	swait.ge [sflag:s21], $0x1  }
0xa0: {  	[sflag:s21] =	ssyncset.done $0x0  }
0xa1: {  	s23 =	simm.s32 $0x1B8E;
	s22 =	sld [smem:$0x3FFE];
	[sflag:s21] =	ssyncadd.s32 $0xFFFFFFFF  }
0xa2: {  	s24 =	simm.s32 $execute0_lowered;
	[smem:$0x3FD2] =	sst s23  }
0xa3: {  	s3 =	sshll.u32 s24, $0x1;
	_ =	strace $0x80000046;
	[dreg:$0x1] =	wrdreg $0xFFFFFFFF  }
0xa4: {  	s25 =	simm.s32 $_size_execute0_lowered;
	s1 =	sadd.s32 s1, s3;
	[dreg:$0x0] =	wrdreg $0x0  }
0xa5: {  	s3 =	sshll.u32 s25, $0x1;
	[dreg:$0x2] =	wrdreg s1  }
0xa6: {  	[dreg:$0x3] =	wrdreg s3  }
0xa7: {  	[dreg:$0x4] =	wrdreg $0xC0  }
0xa8: {  	_ =	task [dreg:s5], $0x5FFFF  }
0xa9: {  	[dreg:$0x1] =	wrdreg $0xFFFFFFFF  }
0xaa: {  	[dreg:$0x0] =	wrdreg $0x60  }
0xab: {  	[dreg:$0x2] =	wrdreg s22  }
0xac: {  	[dreg:$0x3] =	wrdreg s0  }
0xad: {  	[dreg:$0x4] =	wrdreg $0x10000  }
0xae: {  	[dreg:$0x5] =	wrdreg $0x9  }
0xaf: {  	_ =	task.clear_ibuf [dreg:s5], $0x6FFFF;
	_ =	strace $0x90000046  }
0xb0: {  	s26 =	simm.s32 $0x9;
	_ =	strace $0x80000048  }
0xb1: {  	_ =	swait.ge [sflag:s26], $0x1  }
0xb2: {  	[sflag:s26] =	ssyncadd.s32 $0xFFFFFFFF  }
0xb3: {  	_ =	strace $0x90000048  }
0xb4: {  	_ =	sfence  }
0xb5: {  	s28 =	sld [smem:$0x0];
	_ =	sdelay $0x1  }
0xb6: {  	s29 =	srdreg.scid  }
0xb7: {  	s30 =	sshll.u32 s29, $0xD;
	s31 =	sshrl.u32 s29, $0x2  }
0xb8: {  	s2 =	sand.u32 $0x4000, s30;
	s1 =	sand.u32 $0x1, s29;
	s0 =	sadd.s32 s31, s28  }
0xb9: {  	s1 =	sor.u32 s2, s1;
	s0 =	sshll.u32 s0, $0x11  }
0xba: {  	s0 =	sor.u32 s0, s1  }
0xbb: {  	s0 =	sadd.s32 $0x8F2B, s0  }
0xbc: {  	[sflag:s0] =	ssyncadd.remote.s32 $0x1  }
0xbd: {  	_ =	sfence.sel $0xFFFF  }
0xbe: {  	[dreg:$0x0] =	wrdreg $0xFFFFFFFF;
	(pc) =	sbr.abs _section_cstart, $3  }
0xbf: {  	[dreg:$0x1] =	wrdreg $0xFFFFFFFF  }
0xc0: {  	_ =	task.clear_ibuf [dreg:s5], $0x2FFFF;
	_ =	strace $0x9FFFFFFF  }
0xc1: {  	(tm) =	ssettm $0x7FFFFFFF  }
tec
execute0_lowered:
.L_overlay_start_1:
0x0: {  	(tag) =	ssettag $0x1  }
0x1: {  	s6 =	rddreg [dreg:$0x0]  }
0x2: {  	s1 =	rddreg [dreg:$0x1];
	s3 =	stileid.u32  }
0x3: {  	s2 =	rddreg [dreg:$0x2];
	s5 =	simm.s32 $0x0;
	s4 =	sshll.u32 s3, $0x7  }
0x4: {  	[smem:$0x7FF] =	sst s5;
	s6 =	sadd.s32 s4, s6  }
0x5: {  	s0 =	rddreg [dreg:$0x3];
	_ =	strace $0x80000047;
	s7 =	sadd.s32 $0xC00, s6  }
0x6: {  	[tilespmem:s5], [sflag:$0x1] =	stream.linear.gather [hbm4b:s7+s5], $0x400, $0x38;
	[tilespmem:$0x1890] =	vst v63  }
0x7: {  	s29 =	simm.s32 $0x400;
	s30 =	simm.s32 $0x1;
	s6 =	sadd.s32 $0x1400, s6  }
0x8: {  	[tilespmem:s29], [sflag:$0x2] =	stream.linear.gather [hbm4b:s6+s5], $0x400, $0x38;
	[tilespmem:$0x1890] =	vst v63  }
0x9: {  	_ =	swait.ge [sflag:s30], $0x400  }
0xa: {  	[sflag:s30] =	ssyncset.done $0x0  }
0xb: {  	s31 =	simm.s32 $0x2;
	[sflag:s30] =	ssyncadd.s32 $0xFFFFFC00  }
0xc: {  	_ =	swait.ge [sflag:s31], $0x400  }
0xd: {  	[sflag:s31] =	ssyncset.done $0x0  }
0xe: {  	v0 =	vimm.f32 $0.0e+00;
	[sflag:s31] =	ssyncadd.s32 $0xFFFFFC00  }
0xf: {  	[tilespmem:$0x800] =	vst v0  }
0x10: {  	[tilespmem:$0x880] =	vst v0  }
0x11: {  	[tilespmem:$0x900] =	vst v0  }
0x12: {  	[tilespmem:$0x980] =	vst v0  }
0x13: {  	[tilespmem:$0xA00] =	vst v0  }
0x14: {  	[tilespmem:$0xA80] =	vst v0  }
0x15: {  	[tilespmem:$0xB00] =	vst v0  }
0x16: {  	[tilespmem:$0xB80] =	vst v0  }
0x17: {  	[tilespmem:$0xC00] =	vst v0  }
0x18: {  	[tilespmem:$0xC80] =	vst v0  }
0x19: {  	[tilespmem:$0xD00] =	vst v0  }
0x1a: {  	[tilespmem:$0xD80] =	vst v0  }
0x1b: {  	[tilespmem:$0xE00] =	vst v0  }
0x1c: {  	[tilespmem:$0xE80] =	vst v0  }
0x1d: {  	v1 =	vlaneseq.u32;
	[tilespmem:$0xF00] =	vst v0  }
0x1e: {  	v1 =	vmul.u32 $0x80, v1;
	s6 =	simm.s32 $0x800;
	[tilespmem:$0xF80] =	vst v0;
	v0 =	vimm.s32 $0x0  }
.LBB2_1:
0x1f: {  	s7 =	sshra.s32 s5, $0x2  }
0x20: {  	v2 =	vld [tilespmem:s7+$0x0];
	_ =	sdelay $0x4  }
0x21: {  	v3 =	vmul.f32 $1.500000000e+01, v2;
	_ =	sdelay $0x1  }
0x22: {  	v4 =	vtrunc.f32 v3  }
0x23: {  	v5 =	vcvt.f32.s32 v4;
	vm0 =	veq.f32 v3, v4  }
0x24: {  	v3 =	vsel vm0, $0xFFFFFFFF, v0  }
0x25: {  	v3 =	vadd.s32 v5, v3  }
0x26: {  	vm5 =	vgt.s32 v3, $0x0  }
0x27: {  	v42 =	vld [tilespmem:s7+$0x400];
	v3 =	vnsel vm5, $0x0, v3  }
0x28: {  	vm6 =	vgt.f32 v2, $0.0e+00;
	v3 =	vmin.u32 v3, $0xE  }
0x29: {  	v3 =	vor.u32 v1, v3;
	_ =	sdelay $0x2  }
0x2a: {  	v2 =	vsub.f32 v2, v42;
	_ =	sdelay $0x1  }
0x2b: {  	[tilespmem:v3+s6+$0x0] =	vst.idx.add.f32.msk vm6, v2  }
0x2c: {  	v2 =	vld [tilespmem:s7+$0x10];
	_ =	sdelay $0x4  }
0x2d: {  	v3 =	vmul.f32 $1.500000000e+01, v2;
	_ =	sdelay $0x1  }
0x2e: {  	v43 =	vtrunc.f32 v3  }
0x2f: {  	v44 =	vcvt.f32.s32 v43;
	vm7 =	veq.f32 v3, v43  }
0x30: {  	v3 =	vsel vm7, $0xFFFFFFFF, v0  }
0x31: {  	v3 =	vadd.s32 v44, v3  }
0x32: {  	vm8 =	vgt.s32 v3, $0x0  }
0x33: {  	v45 =	vld [tilespmem:s7+$0x410];
	v3 =	vnsel vm8, $0x0, v3  }
0x34: {  	vm9 =	vgt.f32 v2, $0.0e+00;
	v3 =	vmin.u32 v3, $0xE  }
0x35: {  	v3 =	vor.u32 v1, v3;
	_ =	sdelay $0x2  }
0x36: {  	v2 =	vsub.f32 v2, v45;
	_ =	sdelay $0x1  }
0x37: {  	[tilespmem:v3+s6+$0x0] =	vst.idx.add.f32.msk vm9, v2  }
0x38: {  	v2 =	vld [tilespmem:s7+$0x20];
	_ =	sdelay $0x4  }
0x39: {  	v3 =	vmul.f32 $1.500000000e+01, v2;
	_ =	sdelay $0x1  }
0x3a: {  	v46 =	vtrunc.f32 v3  }
0x3b: {  	v47 =	vcvt.f32.s32 v46;
	vm10 =	veq.f32 v3, v46  }
0x3c: {  	v3 =	vsel vm10, $0xFFFFFFFF, v0  }
0x3d: {  	v3 =	vadd.s32 v47, v3  }
0x3e: {  	vm11 =	vgt.s32 v3, $0x0  }
0x3f: {  	v48 =	vld [tilespmem:s7+$0x420];
	v3 =	vnsel vm11, $0x0, v3  }
0x40: {  	vm12 =	vgt.f32 v2, $0.0e+00;
	v3 =	vmin.u32 v3, $0xE  }
0x41: {  	v3 =	vor.u32 v1, v3;
	_ =	sdelay $0x2  }
0x42: {  	v2 =	vsub.f32 v2, v48;
	_ =	sdelay $0x1  }
0x43: {  	[tilespmem:v3+s6+$0x0] =	vst.idx.add.f32.msk vm12, v2  }
0x44: {  	v2 =	vld [tilespmem:s7+$0x30];
	_ =	sdelay $0x4  }
0x45: {  	v3 =	vmul.f32 $1.500000000e+01, v2;
	_ =	sdelay $0x1  }
0x46: {  	v49 =	vtrunc.f32 v3  }
0x47: {  	v50 =	vcvt.f32.s32 v49;
	vm13 =	veq.f32 v3, v49  }
0x48: {  	v3 =	vsel vm13, $0xFFFFFFFF, v0  }
0x49: {  	v3 =	vadd.s32 v50, v3  }
0x4a: {  	vm14 =	vgt.s32 v3, $0x0  }
0x4b: {  	v51 =	vld [tilespmem:s7+$0x430];
	v3 =	vnsel vm14, $0x0, v3  }
0x4c: {  	vm15 =	vgt.f32 v2, $0.0e+00;
	v3 =	vmin.u32 v3, $0xE  }
0x4d: {  	v3 =	vor.u32 v1, v3;
	_ =	sdelay $0x2  }
0x4e: {  	v2 =	vsub.f32 v2, v51;
	_ =	sdelay $0x1  }
0x4f: {  	[tilespmem:v3+s6+$0x0] =	vst.idx.add.f32.msk vm15, v2  }
0x50: {  	v2 =	vld [tilespmem:s7+$0x40];
	_ =	sdelay $0x4  }
0x51: {  	v3 =	vmul.f32 $1.500000000e+01, v2;
	_ =	sdelay $0x1  }
0x52: {  	v52 =	vtrunc.f32 v3  }
0x53: {  	v53 =	vcvt.f32.s32 v52;
	vm4 =	veq.f32 v3, v52  }
0x54: {  	v3 =	vsel vm4, $0xFFFFFFFF, v0  }
0x55: {  	v3 =	vadd.s32 v53, v3  }
0x56: {  	vm5 =	vgt.s32 v3, $0x0  }
0x57: {  	v54 =	vld [tilespmem:s7+$0x440];
	v3 =	vnsel vm5, $0x0, v3  }
0x58: {  	vm6 =	vgt.f32 v2, $0.0e+00;
	v3 =	vmin.u32 v3, $0xE  }
0x59: {  	v3 =	vor.u32 v1, v3;
	_ =	sdelay $0x2  }
0x5a: {  	v2 =	vsub.f32 v2, v54;
	_ =	sdelay $0x1  }
0x5b: {  	[tilespmem:v3+s6+$0x0] =	vst.idx.add.f32.msk vm6, v2  }
0x5c: {  	v2 =	vld [tilespmem:s7+$0x50];
	_ =	sdelay $0x4  }
0x5d: {  	v3 =	vmul.f32 $1.500000000e+01, v2;
	_ =	sdelay $0x1  }
0x5e: {  	v55 =	vtrunc.f32 v3  }
0x5f: {  	v56 =	vcvt.f32.s32 v55;
	vm7 =	veq.f32 v3, v55  }
0x60: {  	v3 =	vsel vm7, $0xFFFFFFFF, v0  }
0x61: {  	v3 =	vadd.s32 v56, v3  }
0x62: {  	vm8 =	vgt.s32 v3, $0x0  }
0x63: {  	v57 =	vld [tilespmem:s7+$0x450];
	v3 =	vnsel vm8, $0x0, v3  }
0x64: {  	vm9 =	vgt.f32 v2, $0.0e+00;
	v3 =	vmin.u32 v3, $0xE  }
0x65: {  	v3 =	vor.u32 v1, v3;
	_ =	sdelay $0x2  }
0x66: {  	v2 =	vsub.f32 v2, v57;
	_ =	sdelay $0x1  }
0x67: {  	[tilespmem:v3+s6+$0x0] =	vst.idx.add.f32.msk vm9, v2  }
0x68: {  	v2 =	vld [tilespmem:s7+$0x60];
	_ =	sdelay $0x4  }
0x69: {  	v3 =	vmul.f32 $1.500000000e+01, v2;
	_ =	sdelay $0x1  }
0x6a: {  	v58 =	vtrunc.f32 v3  }
0x6b: {  	v59 =	vcvt.f32.s32 v58;
	vm10 =	veq.f32 v3, v58  }
0x6c: {  	v3 =	vsel vm10, $0xFFFFFFFF, v0  }
0x6d: {  	v3 =	vadd.s32 v59, v3  }
0x6e: {  	vm11 =	vgt.s32 v3, $0x0  }
0x6f: {  	v60 =	vld [tilespmem:s7+$0x460];
	v3 =	vnsel vm11, $0x0, v3  }
0x70: {  	vm12 =	vgt.f32 v2, $0.0e+00;
	v3 =	vmin.u32 v3, $0xE  }
0x71: {  	v3 =	vor.u32 v1, v3;
	_ =	sdelay $0x2  }
0x72: {  	v2 =	vsub.f32 v2, v60;
	_ =	sdelay $0x1  }
0x73: {  	[tilespmem:v3+s6+$0x0] =	vst.idx.add.f32.msk vm12, v2  }
0x74: {  	v2 =	vld [tilespmem:s7+$0x70];
	_ =	sdelay $0x4  }
0x75: {  	v3 =	vmul.f32 $1.500000000e+01, v2;
	_ =	sdelay $0x1  }
0x76: {  	v61 =	vtrunc.f32 v3  }
0x77: {  	v62 =	vcvt.f32.s32 v61;
	vm13 =	veq.f32 v3, v61  }
0x78: {  	v3 =	vsel vm13, $0xFFFFFFFF, v0  }
0x79: {  	v3 =	vadd.s32 v62, v3  }
0x7a: {  	vm14 =	vgt.s32 v3, $0x0  }
0x7b: {  	v63 =	vld [tilespmem:s7+$0x470];
	v3 =	vnsel vm14, $0x0, v3  }
0x7c: {  	vm15 =	vgt.f32 v2, $0.0e+00;
	v3 =	vmin.u32 v3, $0xE  }
0x7d: {  	p0 =	sne.s32 s5, $0xE00;
	v3 =	vor.u32 v1, v3  }
.Ltmp0:
0x7e: {  	_ = 	snop;
	(pc) =	sbr.rel @p0 .LBB2_1-.Ltmp0, $3  }
0x7f: {  	_ = 	snop  }
0x80: {  	v2 =	vsub.f32 v2, v63;
	_ =	sdelay $0x1  }
0x81: {  	s5 =	sadd.s32 $0x200, s5;
	[tilespmem:v3+s6+$0x0] =	vst.idx.add.f32.msk vm15, v2  }
0x82: {  	v0 =	vld [tilespmem:$0x800]  }
0x83: {  	v1 =	vld [tilespmem:$0x880];
	_ =	sdelay $0x4  }
0x84: {  	v2 =	vadd.f32 v1, v0  }
0x85: {  	v3 =	vld [tilespmem:$0x900]  }
0x86: {  	v0 =	vsub.f32 v2, v0;
	_ =	sdelay $0x1  }
0x87: {  	v0 =	vsub.f32 v0, v1;
	_ =	sdelay $0x1  }
0x88: {  	v0 =	vsub.f32 v3, v0;
	_ =	sdelay $0x1  }
0x89: {  	v38 =	vadd.f32 v0, v2  }
0x8a: {  	v39 =	vld [tilespmem:$0x980]  }
0x8b: {  	v2 =	vsub.f32 v38, v2;
	_ =	sdelay $0x1  }
0x8c: {  	v0 =	vsub.f32 v2, v0;
	_ =	sdelay $0x1  }
0x8d: {  	v0 =	vsub.f32 v39, v0;
	_ =	sdelay $0x1  }
0x8e: {  	v40 =	vadd.f32 v0, v38  }
0x8f: {  	v41 =	vld [tilespmem:$0xA00]  }
0x90: {  	v1 =	vsub.f32 v40, v38;
	_ =	sdelay $0x1  }
0x91: {  	v0 =	vsub.f32 v1, v0;
	_ =	sdelay $0x1  }
0x92: {  	v0 =	vsub.f32 v41, v0;
	_ =	sdelay $0x1  }
0x93: {  	v42 =	vadd.f32 v0, v40  }
0x94: {  	v43 =	vld [tilespmem:$0xA80]  }
0x95: {  	v2 =	vsub.f32 v42, v40;
	_ =	sdelay $0x1  }
0x96: {  	v0 =	vsub.f32 v2, v0;
	_ =	sdelay $0x1  }
0x97: {  	v0 =	vsub.f32 v43, v0;
	_ =	sdelay $0x1  }
0x98: {  	v44 =	vadd.f32 v0, v42  }
0x99: {  	v45 =	vld [tilespmem:$0xB00]  }
0x9a: {  	v1 =	vsub.f32 v44, v42;
	_ =	sdelay $0x1  }
0x9b: {  	v0 =	vsub.f32 v1, v0;
	_ =	sdelay $0x1  }
0x9c: {  	v0 =	vsub.f32 v45, v0;
	_ =	sdelay $0x1  }
0x9d: {  	v46 =	vadd.f32 v0, v44  }
0x9e: {  	v47 =	vld [tilespmem:$0xB80]  }
0x9f: {  	v2 =	vsub.f32 v46, v44;
	_ =	sdelay $0x1  }
0xa0: {  	v0 =	vsub.f32 v2, v0;
	_ =	sdelay $0x1  }
0xa1: {  	v0 =	vsub.f32 v47, v0;
	_ =	sdelay $0x1  }
0xa2: {  	v48 =	vadd.f32 v0, v46  }
0xa3: {  	v49 =	vld [tilespmem:$0xC00]  }
0xa4: {  	v1 =	vsub.f32 v48, v46;
	_ =	sdelay $0x1  }
0xa5: {  	v0 =	vsub.f32 v1, v0;
	_ =	sdelay $0x1  }
0xa6: {  	v0 =	vsub.f32 v49, v0;
	_ =	sdelay $0x1  }
0xa7: {  	v50 =	vadd.f32 v0, v48  }
0xa8: {  	v51 =	vld [tilespmem:$0xC80]  }
0xa9: {  	v2 =	vsub.f32 v50, v48;
	_ =	sdelay $0x1  }
0xaa: {  	v0 =	vsub.f32 v2, v0;
	_ =	sdelay $0x1  }
0xab: {  	v0 =	vsub.f32 v51, v0;
	_ =	sdelay $0x1  }
0xac: {  	v52 =	vadd.f32 v0, v50  }
0xad: {  	v53 =	vld [tilespmem:$0xD00]  }
0xae: {  	v1 =	vsub.f32 v52, v50;
	_ =	sdelay $0x1  }
0xaf: {  	v0 =	vsub.f32 v1, v0;
	_ =	sdelay $0x1  }
0xb0: {  	v0 =	vsub.f32 v53, v0;
	_ =	sdelay $0x1  }
0xb1: {  	v54 =	vadd.f32 v0, v52  }
0xb2: {  	v55 =	vld [tilespmem:$0xD80]  }
0xb3: {  	v2 =	vsub.f32 v54, v52;
	_ =	sdelay $0x1  }
0xb4: {  	v0 =	vsub.f32 v2, v0;
	_ =	sdelay $0x1  }
0xb5: {  	v0 =	vsub.f32 v55, v0;
	_ =	sdelay $0x1  }
0xb6: {  	v56 =	vadd.f32 v0, v54  }
0xb7: {  	v57 =	vld [tilespmem:$0xE00]  }
0xb8: {  	v1 =	vsub.f32 v56, v54;
	_ =	sdelay $0x1  }
0xb9: {  	v0 =	vsub.f32 v1, v0;
	_ =	sdelay $0x1  }
0xba: {  	v0 =	vsub.f32 v57, v0;
	_ =	sdelay $0x1  }
0xbb: {  	v58 =	vadd.f32 v0, v56  }
0xbc: {  	v59 =	vld [tilespmem:$0xE80]  }
0xbd: {  	v2 =	vsub.f32 v58, v56;
	_ =	sdelay $0x1  }
0xbe: {  	v0 =	vsub.f32 v2, v0;
	_ =	sdelay $0x1  }
0xbf: {  	v0 =	vsub.f32 v59, v0;
	_ =	sdelay $0x1  }
0xc0: {  	v60 =	vadd.f32 v0, v58  }
0xc1: {  	v61 =	vld [tilespmem:$0xF00]  }
0xc2: {  	v1 =	vsub.f32 v60, v58;
	_ =	sdelay $0x1  }
0xc3: {  	v0 =	vsub.f32 v1, v0;
	_ =	sdelay $0x1  }
0xc4: {  	v0 =	vsub.f32 v61, v0;
	_ =	sdelay $0x1  }
0xc5: {  	v62 =	vadd.f32 v0, v60  }
0xc6: {  	v63 =	vld [tilespmem:$0xF80]  }
0xc7: {  	v2 =	vsub.f32 v62, v60;
	_ =	sdelay $0x1  }
0xc8: {  	v0 =	vsub.f32 v2, v0;
	_ =	sdelay $0x1  }
0xc9: {  	v0 =	vsub.f32 v63, v0;
	_ =	sdelay $0x1  }
0xca: {  	v0 =	vadd.f32 v0, v62;
	_ =	sdelay $0x1  }
0xcb: {  	s4 =	sadd.s32 s4, s2;
	s5 =	simm.s32 $0x1810;
	[tilespmem:$0x1810] =	vst v0  }
0xcc: {  	[spmem:s4] =	stream.linear.scatter [tilespmem:s5], [sflag:$0x3], $0x80, $0x38;
	[tilespmem:$0x1890] =	vst v63  }
0xcd: {  	s4 =	simm.s32 $0x3  }
0xce: {  	_ =	swait.ge [sflag:s4], $0x80  }
0xcf: {  	[sflag:s4] =	ssyncset.done $0x0  }
0xd0: {  	[sflag:s4] =	ssyncadd.s32 $0xFFFFFF80  }
0xd1: {  	p0 =	sne.s32 s3, $0x0;
	[bflag:$0x0] =	sbarrier.arrive $0xFFFF  }
0xd2: {  	_ =	sfence.sel @p0 $0x180000  }
0xd3: {  	[bflag:$0x0] =	sbarrier.arrive @p0 $0xFFFF  }
0xd4: {  	_ =	strace @p0 $0x90000047  }
0xd5: {  	[bflag:$0x2] =	sbarrier.arrive @p0 $0xFFFF  }
0xd6: {  	_ =	shalt @p0  }
.LBB2_3:
0xd7: {  	s3 =	simm.s32 $0x1010  }
0xd8: {  	[tilespmem:s3], [sflag:$0x3] =	stream.linear.gather [spmem:s2], $0x800, $0x38;
	[tilespmem:$0x1890] =	vst v63  }
0xd9: {  	_ =	swait.ge [sflag:s4], $0x800  }
0xda: {  	[sflag:s4] =	ssyncset.done $0x0  }
0xdb: {  	[sflag:s4] =	ssyncadd.s32 $0xFFFFF800  }
0xdc: {  	v0 =	vld [tilespmem:$0x1010]  }
0xdd: {  	v1 =	vld [tilespmem:$0x1090];
	_ =	sdelay $0x4  }
0xde: {  	v2 =	vadd.f32 v1, v0  }
0xdf: {  	v3 =	vld [tilespmem:$0x1110]  }
0xe0: {  	v0 =	vsub.f32 v2, v0;
	_ =	sdelay $0x1  }
0xe1: {  	v0 =	vsub.f32 v0, v1;
	_ =	sdelay $0x1  }
0xe2: {  	v0 =	vsub.f32 v3, v0;
	_ =	sdelay $0x1  }
0xe3: {  	v37 =	vadd.f32 v0, v2  }
0xe4: {  	v38 =	vld [tilespmem:$0x1190]  }
0xe5: {  	v2 =	vsub.f32 v37, v2;
	_ =	sdelay $0x1  }
0xe6: {  	v0 =	vsub.f32 v2, v0;
	_ =	sdelay $0x1  }
0xe7: {  	v0 =	vsub.f32 v38, v0;
	_ =	sdelay $0x1  }
0xe8: {  	v39 =	vadd.f32 v0, v37  }
0xe9: {  	v40 =	vld [tilespmem:$0x1210]  }
0xea: {  	v1 =	vsub.f32 v39, v37;
	_ =	sdelay $0x1  }
0xeb: {  	v0 =	vsub.f32 v1, v0;
	_ =	sdelay $0x1  }
0xec: {  	v0 =	vsub.f32 v40, v0;
	_ =	sdelay $0x1  }
0xed: {  	v41 =	vadd.f32 v0, v39  }
0xee: {  	v42 =	vld [tilespmem:$0x1290]  }
0xef: {  	v2 =	vsub.f32 v41, v39;
	_ =	sdelay $0x1  }
0xf0: {  	v0 =	vsub.f32 v2, v0;
	_ =	sdelay $0x1  }
0xf1: {  	v0 =	vsub.f32 v42, v0;
	_ =	sdelay $0x1  }
0xf2: {  	v43 =	vadd.f32 v0, v41  }
0xf3: {  	v44 =	vld [tilespmem:$0x1310]  }
0xf4: {  	v1 =	vsub.f32 v43, v41;
	_ =	sdelay $0x1  }
0xf5: {  	v0 =	vsub.f32 v1, v0;
	_ =	sdelay $0x1  }
0xf6: {  	v0 =	vsub.f32 v44, v0;
	_ =	sdelay $0x1  }
0xf7: {  	v45 =	vadd.f32 v0, v43  }
0xf8: {  	v46 =	vld [tilespmem:$0x1390]  }
0xf9: {  	v2 =	vsub.f32 v45, v43;
	_ =	sdelay $0x1  }
0xfa: {  	v0 =	vsub.f32 v2, v0;
	_ =	sdelay $0x1  }
0xfb: {  	v0 =	vsub.f32 v46, v0;
	_ =	sdelay $0x1  }
0xfc: {  	v47 =	vadd.f32 v0, v45  }
0xfd: {  	v48 =	vld [tilespmem:$0x1410]  }
0xfe: {  	v1 =	vsub.f32 v47, v45;
	_ =	sdelay $0x1  }
0xff: {  	v0 =	vsub.f32 v1, v0;
	_ =	sdelay $0x1  }
0x100: {  	v0 =	vsub.f32 v48, v0;
	_ =	sdelay $0x1  }
0x101: {  	v49 =	vadd.f32 v0, v47  }
0x102: {  	v50 =	vld [tilespmem:$0x1490]  }
0x103: {  	v2 =	vsub.f32 v49, v47;
	_ =	sdelay $0x1  }
0x104: {  	v0 =	vsub.f32 v2, v0;
	_ =	sdelay $0x1  }
0x105: {  	v0 =	vsub.f32 v50, v0;
	_ =	sdelay $0x1  }
0x106: {  	v51 =	vadd.f32 v0, v49  }
0x107: {  	v52 =	vld [tilespmem:$0x1510]  }
0x108: {  	v1 =	vsub.f32 v51, v49;
	_ =	sdelay $0x1  }
0x109: {  	v0 =	vsub.f32 v1, v0;
	_ =	sdelay $0x1  }
0x10a: {  	v0 =	vsub.f32 v52, v0;
	_ =	sdelay $0x1  }
0x10b: {  	v53 =	vadd.f32 v0, v51  }
0x10c: {  	v54 =	vld [tilespmem:$0x1590]  }
0x10d: {  	v2 =	vsub.f32 v53, v51;
	_ =	sdelay $0x1  }
0x10e: {  	v0 =	vsub.f32 v2, v0;
	_ =	sdelay $0x1  }
0x10f: {  	v0 =	vsub.f32 v54, v0;
	_ =	sdelay $0x1  }
0x110: {  	v55 =	vadd.f32 v0, v53  }
0x111: {  	v56 =	vld [tilespmem:$0x1610]  }
0x112: {  	v1 =	vsub.f32 v55, v53;
	_ =	sdelay $0x1  }
0x113: {  	v0 =	vsub.f32 v1, v0;
	_ =	sdelay $0x1  }
0x114: {  	v0 =	vsub.f32 v56, v0;
	_ =	sdelay $0x1  }
0x115: {  	v57 =	vadd.f32 v0, v55  }
0x116: {  	v58 =	vld [tilespmem:$0x1690]  }
0x117: {  	v2 =	vsub.f32 v57, v55;
	_ =	sdelay $0x1  }
0x118: {  	v0 =	vsub.f32 v2, v0;
	_ =	sdelay $0x1  }
0x119: {  	v0 =	vsub.f32 v58, v0;
	_ =	sdelay $0x1  }
0x11a: {  	v59 =	vadd.f32 v0, v57  }
0x11b: {  	v60 =	vld [tilespmem:$0x1710]  }
0x11c: {  	v1 =	vsub.f32 v59, v57;
	_ =	sdelay $0x1  }
0x11d: {  	v0 =	vsub.f32 v1, v0;
	_ =	sdelay $0x1  }
0x11e: {  	v0 =	vsub.f32 v60, v0;
	_ =	sdelay $0x1  }
0x11f: {  	v61 =	vadd.f32 v0, v59  }
0x120: {  	v62 =	vld [tilespmem:$0x1790]  }
0x121: {  	v2 =	vsub.f32 v61, v59;
	_ =	sdelay $0x1  }
0x122: {  	v0 =	vsub.f32 v2, v0;
	_ =	sdelay $0x1  }
0x123: {  	v0 =	vsub.f32 v62, v0;
	_ =	sdelay $0x1  }
0x124: {  	v0 =	vadd.f32 v0, v61;
	_ =	sdelay $0x1  }
0x125: {  	v0 =	vand.u32 $0x7FFFFFFF, v0  }
0x126: {  	(xrf2) =	vadd.scan.msk.f32 $0xffff, v0;
	_ =	sdelay $0x9  }
0x127: {  	v0, _, _ =	vpop (xrf2)  }
0x128: {  	(v2sf) =	vpush v0, $0xF;
	_ =	sdelay $0xe  }
0x129: {  	s30 =	spop (v2sf)  }
0x12a: {  	s2 =	smul.f32 $6.103515630e-05, s30;
	_ =	sdelay $0x1  }
0x12b: {  	v63 =	vmov s2  }
0x12c: {  	s31 =	simm.s32 $0x0;
	[tilespmem:$0x1810] =	vst v63  }
0x12d: {  	[hbm4b:s1+s31] =	stream.linear.scatter [tilespmem:s5], [sflag:$0x3], $0x80, $0x38;
	[tilespmem:$0x1890] =	vst v63  }
0x12e: {  	_ =	swait.ge [sflag:s4], $0x80  }
0x12f: {  	[sflag:s4] =	ssyncset.done $0x0  }
0x130: {  	[sflag:s4] =	ssyncadd.s32 $0xFFFFFF80  }
0x131: {  	_ =	sfence.sel $0x180000  }
0x132: {  	[bflag:$0x0] =	sbarrier.arrive $0xFFFF  }
0x133: {  	_ =	strace $0x90000047  }
0x134: {  	s0 =	sadd.s32 $0x100000, s0;
	[bflag:$0x2] =	sbarrier.arrive $0xFFFF  }
0x135: {  	[sflag:s0] =	ssyncadd.tile.s32 $0x1;
	_ =	shalt  }
.Lfunc_end2:
_tile_overlayer_lowered:
.L_overlay_start_2:
0x136: {  	(tag) =	ssettag $0x2  }
0x137: {  	s0 =	rddreg [dreg:$0x0];
	s2 =	stileid.u32  }
0x138: {  	s1 =	rddreg [dreg:$0x1];
	p0 =	sne.s32 s2, $0x0  }
0x139: {  	s3 =	rddreg [dreg:$0x2];
	[bflag:$0x3] =	sbarrier.arrive $0xFFFF;
	s2 =	simm.s32 @!p0 $0x1C03  }
0x13a: {  	[timem:s3], [sflag:s2] =	dma.local @!p0 [hbm:s0], s1  }
0x13b: {  	s0 =	simm.s32 @!p0 $0x3  }
0x13c: {  	_ =	swait.ge @!p0 [sflag:s0], s1  }
0x13d: {  	s1 =	ssub.s32 @!p0 $0x0, s1;
	[sflag:s0] =	ssyncset.done @!p0 $0x0  }
0x13e: {  	[sflag:s0] =	ssyncadd.s32 @!p0 s1  }
0x13f: {  	[bflag:$0x3] =	sbarrier.arrive $0xFFFF  }
0x140: {  	_ =	shalt  }

</sc_bundles>
